<compile_context>
chip_gen: v7x
topology: tpu7x:2x2x1
jax: 0.10.2.dev20260603
libtpu: 0.0.44.dev20260713+nightly
codegen_flags: <defaults>
</compile_context>

<pallas_src>
import functools
import jax
import jax.numpy as jnp
from jax import lax
from jax.experimental import pallas as pl
from jax.experimental.pallas import tpu as pltpu
from jax.experimental.pallas import tpu_sc as plsc

B, L, D = 1024, 512, 128
RG = 4
CHUNK_ROWS = L // RG
NC, NS = 2, 16
NW = NC * NS
BGROUPS = NW // RG
BPW = B // BGROUPS
NBUF = 6
PD = 4
NG = (BPW - 1) // NBUF

_mesh = plsc.VectorSubcoreMesh(core_axis_name="c", subcore_axis_name="s")


@functools.partial(
    pl.kernel,
    mesh=_mesh,
    out_type=jax.ShapeDtypeStruct((B * RG, CHUNK_ROWS, D), jnp.float32),
    scratch_types=(
        [pltpu.VMEM((CHUNK_ROWS, D), jnp.float32)]
        + [pltpu.VMEM((CHUNK_ROWS, D), jnp.float32) for _ in range(NBUF)]
        + [pltpu.SemaphoreType.DMA for _ in range(2 * NBUF)]
    ),
)
def _sc_add(embed_hbm, pos_hbm, out_hbm, pos_v, *rest):
    bufs = rest[:NBUF]
    in_sems = rest[NBUF:2 * NBUF]
    out_sems = rest[2 * NBUF:]

    wid = lax.axis_index("s") * NC + lax.axis_index("c")
    bg = wid // RG
    rg = wid % RG
    base = bg * BPW

    def chunk_idx(k):
        return (base + k) * RG + rg

    pltpu.sync_copy(pos_hbm.at[rg], pos_v)

    for j in range(PD):
        pltpu.async_copy(embed_hbm.at[chunk_idx(j)], bufs[j], in_sems[j])

    def iteration(k, s, wait_out_pred, start_in_pred):
        buf = bufs[s]
        c = chunk_idx(k)
        pltpu.make_async_copy(embed_hbm.at[c], buf, in_sems[s]).wait()

        def add_body(r, carry2):
            for j in range(D // 16):
                sl = pl.ds(j * 16, 16)
                plsc.addupdate(buf.at[r, sl], pos_v[r, sl])
            return carry2

        lax.fori_loop(0, CHUNK_ROWS, add_body, 0)

        pltpu.async_copy(buf, out_hbm.at[c], out_sems[s])

        sp = (s + PD) % NBUF
        kw = k + PD - NBUF

        def retire():
            pltpu.make_async_copy(
                bufs[sp], out_hbm.at[chunk_idx(kw)], out_sems[sp]
            ).wait()

        if wait_out_pred is None:
            retire()
        elif wait_out_pred is not False:
            pl.when(wait_out_pred)(retire)

        def launch():
            pltpu.async_copy(
                embed_hbm.at[chunk_idx(k + PD)], bufs[sp], in_sems[sp]
            )

        if start_in_pred is None:
            launch()
        elif start_in_pred is not False:
            pl.when(start_in_pred)(launch)

    def group(g, carry):
        for s in range(NBUF):
            k = g * NBUF + s
            wait_out_pred = (g >= 1) if s < NBUF - PD else None
            if (NG - 1) * NBUF + s + PD >= BPW:
                start_in_pred = g < NG - 1
            else:
                start_in_pred = None
            iteration(k, s, wait_out_pred, start_in_pred)
        return carry

    lax.fori_loop(0, NG, group, 0)

    for k in range(NG * NBUF, BPW):
        iteration(k, k % NBUF, None, None if k + PD < BPW else False)

    for j in range(NBUF - PD):
        kk = BPW - (NBUF - PD) + j
        pltpu.make_async_copy(
            bufs[kk % NBUF], out_hbm.at[chunk_idx(kk)], out_sems[kk % NBUF]
        ).wait()


def kernel(embed, pos_table):
    e = embed.reshape(B * RG, CHUNK_ROWS, D)
    p = pos_table.reshape(RG, CHUNK_ROWS, D)
    out = _sc_add(e, p)
    return out.reshape(B, L, D)

# --- scband reference (transcript-rebuilt; emitter-appended) ---
"""Pipeline reference for scband-positional-encoder-61856118997044 (READ-ONLY COPY).

The authoritative reference and input builder live on the scoring server;
editing this copy changes nothing except your own understanding.
"""

import jax, jax.numpy as jnp
import numpy as np

EMBED_DIM = 128
MAX_LEN = 512

def _make_table():
    pos = np.arange(MAX_LEN, dtype=np.float64)[:, None]
    i = np.arange(EMBED_DIM, dtype=np.float64)[None, :]
    angle = pos / np.power(10000.0, 2.0 * np.floor(i / 2.0) / EMBED_DIM)
    pe = angle.copy()
    pe[:, 0::2] = np.sin(angle[:, 0::2])
    pe[:, 1::2] = np.cos(angle[:, 1::2])
    return jnp.asarray(pe, dtype=jnp.float32)

def setup_inputs(seed: int = 0) -> dict:
    key = jax.random.key(seed)
    embed = jax.random.normal(key, (1024, 512, EMBED_DIM), dtype=jnp.float32)
    return {"embed": embed, "pos_table": _make_table()}

def reference(embed, pos_table):
    token_len = embed.shape[1]
    ids = jnp.arange(token_len, dtype=jnp.int32)
    pos = jnp.take(pos_table, ids, axis=0)  # embedding lookup [L, D]
    return embed + pos[None, :, :]

if __name__ == "__main__":
    import jax
    _d = setup_inputs()
    print(jax.jit(kernel)(*tuple(_d.values())))

</pallas_src>

<mosaic_0001>
#map = affine_map<(d0, d1) -> (0, 0, 0)>
module attributes {stable_mosaic.version = 14 : i64} {
  func.func @_sc_add(%arg0: i32, %arg1: i32, %arg2: memref<4096x128x128xf32, #tpu.memory_space<hbm>>, %arg3: memref<4x128x128xf32, #tpu.memory_space<hbm>>, %arg4: memref<4096x128x128xf32, #tpu.memory_space<hbm>>, %arg5: memref<128x128xf32, #tpu.memory_space<vmem>>, %arg6: memref<128x128xf32, #tpu.memory_space<vmem>>, %arg7: memref<128x128xf32, #tpu.memory_space<vmem>>, %arg8: memref<128x128xf32, #tpu.memory_space<vmem>>, %arg9: memref<128x128xf32, #tpu.memory_space<vmem>>, %arg10: memref<128x128xf32, #tpu.memory_space<vmem>>, %arg11: memref<128x128xf32, #tpu.memory_space<vmem>>, %arg12: memref<!tpu.dma_semaphore, #tpu.memory_space<semaphore_mem>>, %arg13: memref<!tpu.dma_semaphore, #tpu.memory_space<semaphore_mem>>, %arg14: memref<!tpu.dma_semaphore, #tpu.memory_space<semaphore_mem>>, %arg15: memref<!tpu.dma_semaphore, #tpu.memory_space<semaphore_mem>>, %arg16: memref<!tpu.dma_semaphore, #tpu.memory_space<semaphore_mem>>, %arg17: memref<!tpu.dma_semaphore, #tpu.memory_space<semaphore_mem>>, %arg18: memref<!tpu.dma_semaphore, #tpu.memory_space<semaphore_mem>>, %arg19: memref<!tpu.dma_semaphore, #tpu.memory_space<semaphore_mem>>, %arg20: memref<!tpu.dma_semaphore, #tpu.memory_space<semaphore_mem>>, %arg21: memref<!tpu.dma_semaphore, #tpu.memory_space<semaphore_mem>>, %arg22: memref<!tpu.dma_semaphore, #tpu.memory_space<semaphore_mem>>, %arg23: memref<!tpu.dma_semaphore, #tpu.memory_space<semaphore_mem>>) attributes {dimension_semantics = [#tpu.dimension_semantics<core_parallel>, #tpu.dimension_semantics<subcore_parallel>], iteration_bounds = array<i64: 2, 16>, scalar_prefetch = 0 : i64, scratch_operands = 19 : i64, tpu.core_type = #tpu.core_type<sc_vector_subcore>, window_params = [{transform_indices = #map}, {transform_indices = #map}, {transform_indices = #map}]} {
    %mul3A = arith.constant 2 : i32
    %mul3A_0 = arith.muli %arg1, %mul3A : i32
    %add3A = arith.addi %mul3A_0, %arg0 : i32
    %jit3A = arith.constant 4 : i32
    %div3A = arith.divsi %add3A, %jit3A : i32
    %sign3A = arith.constant 0 : i32
    %sign3A_1 = arith.cmpi sgt, %add3A, %sign3A : i32
    %sign3A_2 = arith.extui %sign3A_1 : i1 to i32
    %sign3A_3 = arith.constant 0 : i32
    %sign3A_4 = arith.cmpi slt, %add3A, %sign3A_3 : i32
    %sign3A_5 = arith.extui %sign3A_4 : i1 to i32
    %sign3A_6 = arith.subi %sign3A_2, %sign3A_5 : i32
    %sign3A_7 = arith.constant 0 : i32
    %sign3A_8 = arith.cmpi sgt, %jit3A, %sign3A_7 : i32
    %sign3A_9 = arith.extui %sign3A_8 : i1 to i32
    %sign3A_10 = arith.constant 0 : i32
    %sign3A_11 = arith.cmpi slt, %jit3A, %sign3A_10 : i32
    %sign3A_12 = arith.extui %sign3A_11 : i1 to i32
    %sign3A_13 = arith.subi %sign3A_9, %sign3A_12 : i32
    %ne3A = arith.cmpi ne, %sign3A_6, %sign3A_13 : i32
    %rem3A = arith.remsi %add3A, %jit3A : i32
    %ne3A_14 = arith.constant 0 : i32
    %ne3A_15 = arith.cmpi ne, %rem3A, %ne3A_14 : i32
    %and3A = arith.andi %ne3A, %ne3A_15 : i1
    %sub3A = arith.constant 1 : i32
    %sub3A_16 = arith.subi %div3A, %sub3A : i32
    %select_n3A = arith.select %and3A, %sub3A_16, %div3A : i32
    %jit3A_17 = arith.constant 4 : i32
    %eq3A = arith.constant 0 : i32
    %eq3A_18 = arith.cmpi eq, %jit3A_17, %eq3A : i32
    %jit3A_19 = arith.constant 1 : i32
    %select_n3A_20 = arith.select %eq3A_18, %jit3A_19, %jit3A_17 : i32
    %rem3A_21 = arith.remsi %add3A, %select_n3A_20 : i32
    %ne3A_22 = arith.constant 0 : i32
    %ne3A_23 = arith.cmpi ne, %rem3A_21, %ne3A_22 : i32
    %lt3A = arith.constant 0 : i32
    %lt3A_24 = arith.cmpi slt, %rem3A_21, %lt3A : i32
    %lt3A_25 = arith.constant 0 : i32
    %lt3A_26 = arith.cmpi slt, %select_n3A_20, %lt3A_25 : i32
    %ne3A_27 = arith.xori %lt3A_24, %lt3A_26 : i1
    %and3A_28 = arith.andi %ne3A_27, %ne3A_23 : i1
    %add3A_29 = arith.addi %rem3A_21, %select_n3A_20 : i32
    %select_n3A_30 = arith.select %and3A_28, %add3A_29, %rem3A_21 : i32
    %mul3A_31 = arith.constant 128 : i32
    %mul3A_32 = arith.muli %select_n3A, %mul3A_31 : i32
    "tpu.region"() ({
      %run_scoped3A = tpu.sem_alloc : memref<!tpu.dma_semaphore, #tpu.memory_space<semaphore_mem>>
      %dma_start3A_194 = arith.constant 0 : i32
      %dma_start3A_195 = arith.constant 0 : i32
      %dma_start3A_196 = tpu.memref_slice %arg3[%select_n3A_30, %dma_start3A_194, %dma_start3A_195] : memref<4x128x128xf32, #tpu.memory_space<hbm>> -> memref<1x128x128xf32, #tpu.memory_space<hbm>>
      %dma_start3A_197 = tpu.memref_squeeze %dma_start3A_196 : memref<1x128x128xf32, #tpu.memory_space<hbm>> -> memref<128x128xf32, #tpu.memory_space<hbm>>
      %dma_start3A_198 = arith.constant 0 : i32
      %dma_start3A_199 = arith.constant 0 : i32
      %dma_start3A_200 = tpu.memref_slice %arg3[%select_n3A_30, %dma_start3A_198, %dma_start3A_199] : memref<4x128x128xf32, #tpu.memory_space<hbm>> -> memref<1x128x128xf32, #tpu.memory_space<hbm>>
      %dma_start3A_201 = tpu.memref_squeeze %dma_start3A_200 : memref<1x128x128xf32, #tpu.memory_space<hbm>> -> memref<128x128xf32, #tpu.memory_space<hbm>>
      tpu.enqueue_dma source(%dma_start3A_201 : memref<128x128xf32, #tpu.memory_space<hbm>>) target(%arg5 : memref<128x128xf32, #tpu.memory_space<vmem>>) target_semaphore(%run_scoped3A : memref<!tpu.dma_semaphore, #tpu.memory_space<semaphore_mem>>)
      %dma_wait3A_202 = arith.constant 0 : i32
      %dma_wait3A_203 = arith.constant 0 : i32
      %dma_wait3A_204 = tpu.memref_slice %arg3[%select_n3A_30, %dma_wait3A_202, %dma_wait3A_203] : memref<4x128x128xf32, #tpu.memory_space<hbm>> -> memref<1x128x128xf32, #tpu.memory_space<hbm>>
      %dma_wait3A_205 = tpu.memref_squeeze %dma_wait3A_204 : memref<1x128x128xf32, #tpu.memory_space<hbm>> -> memref<128x128xf32, #tpu.memory_space<hbm>>
      %dma_wait3A_206 = arith.constant 0 : i32
      %dma_wait3A_207 = arith.constant 0 : i32
      %dma_wait3A_208 = tpu.memref_slice %arg3[%select_n3A_30, %dma_wait3A_206, %dma_wait3A_207] : memref<4x128x128xf32, #tpu.memory_space<hbm>> -> memref<1x128x128xf32, #tpu.memory_space<hbm>>
      %dma_wait3A_209 = tpu.memref_squeeze %dma_wait3A_208 : memref<1x128x128xf32, #tpu.memory_space<hbm>> -> memref<128x128xf32, #tpu.memory_space<hbm>>
      tpu.wait_dma2 semaphore(%run_scoped3A : memref<!tpu.dma_semaphore, #tpu.memory_space<semaphore_mem>>) src(%dma_wait3A_209 : memref<128x128xf32, #tpu.memory_space<hbm>>) dst(%arg5 : memref<128x128xf32, #tpu.memory_space<vmem>>)
      tpu.yield
    }) : () -> ()
    %add3A_33 = arith.constant 0 : i32
    %add3A_34 = arith.addi %mul3A_32, %add3A_33 : i32
    %mul3A_35 = arith.constant 4 : i32
    %mul3A_36 = arith.muli %add3A_34, %mul3A_35 : i32
    %add3A_37 = arith.addi %mul3A_36, %select_n3A_30 : i32
    %dma_start3A = arith.constant 0 : i32
    %dma_start3A_38 = arith.constant 0 : i32
    %dma_start3A_39 = tpu.memref_slice %arg2[%add3A_37, %dma_start3A, %dma_start3A_38] : memref<4096x128x128xf32, #tpu.memory_space<hbm>> -> memref<1x128x128xf32, #tpu.memory_space<hbm>>
    %dma_start3A_40 = tpu.memref_squeeze %dma_start3A_39 : memref<1x128x128xf32, #tpu.memory_space<hbm>> -> memref<128x128xf32, #tpu.memory_space<hbm>>
    %dma_start3A_41 = arith.constant 0 : i32
    %dma_start3A_42 = arith.constant 0 : i32
    %dma_start3A_43 = tpu.memref_slice %arg2[%add3A_37, %dma_start3A_41, %dma_start3A_42] : memref<4096x128x128xf32, #tpu.memory_space<hbm>> -> memref<1x128x128xf32, #tpu.memory_space<hbm>>
    %dma_start3A_44 = tpu.memref_squeeze %dma_start3A_43 : memref<1x128x128xf32, #tpu.memory_space<hbm>> -> memref<128x128xf32, #tpu.memory_space<hbm>>
    tpu.enqueue_dma source(%dma_start3A_44 : memref<128x128xf32, #tpu.memory_space<hbm>>) target(%arg6 : memref<128x128xf32, #tpu.memory_space<vmem>>) target_semaphore(%arg12 : memref<!tpu.dma_semaphore, #tpu.memory_space<semaphore_mem>>)
    %add3A_45 = arith.constant 1 : i32
    %add3A_46 = arith.addi %mul3A_32, %add3A_45 : i32
    %mul3A_47 = arith.constant 4 : i32
    %mul3A_48 = arith.muli %add3A_46, %mul3A_47 : i32
    %add3A_49 = arith.addi %mul3A_48, %select_n3A_30 : i32
    %dma_start3A_50 = arith.constant 0 : i32
    %dma_start3A_51 = arith.constant 0 : i32
    %dma_start3A_52 = tpu.memref_slice %arg2[%add3A_49, %dma_start3A_50, %dma_start3A_51] : memref<4096x128x128xf32, #tpu.memory_space<hbm>> -> memref<1x128x128xf32, #tpu.memory_space<hbm>>
    %dma_start3A_53 = tpu.memref_squeeze %dma_start3A_52 : memref<1x128x128xf32, #tpu.memory_space<hbm>> -> memref<128x128xf32, #tpu.memory_space<hbm>>
    %dma_start3A_54 = arith.constant 0 : i32
    %dma_start3A_55 = arith.constant 0 : i32
    %dma_start3A_56 = tpu.memref_slice %arg2[%add3A_49, %dma_start3A_54, %dma_start3A_55] : memref<4096x128x128xf32, #tpu.memory_space<hbm>> -> memref<1x128x128xf32, #tpu.memory_space<hbm>>
    %dma_start3A_57 = tpu.memref_squeeze %dma_start3A_56 : memref<1x128x128xf32, #tpu.memory_space<hbm>> -> memref<128x128xf32, #tpu.memory_space<hbm>>
    tpu.enqueue_dma source(%dma_start3A_57 : memref<128x128xf32, #tpu.memory_space<hbm>>) target(%arg7 : memref<128x128xf32, #tpu.memory_space<vmem>>) target_semaphore(%arg13 : memref<!tpu.dma_semaphore, #tpu.memory_space<semaphore_mem>>)
    %add3A_58 = arith.constant 2 : i32
    %add3A_59 = arith.addi %mul3A_32, %add3A_58 : i32
    %mul3A_60 = arith.constant 4 : i32
    %mul3A_61 = arith.muli %add3A_59, %mul3A_60 : i32
    %add3A_62 = arith.addi %mul3A_61, %select_n3A_30 : i32
    %dma_start3A_63 = arith.constant 0 : i32
    %dma_start3A_64 = arith.constant 0 : i32
    %dma_start3A_65 = tpu.memref_slice %arg2[%add3A_62, %dma_start3A_63, %dma_start3A_64] : memref<4096x128x128xf32, #tpu.memory_space<hbm>> -> memref<1x128x128xf32, #tpu.memory_space<hbm>>
    %dma_start3A_66 = tpu.memref_squeeze %dma_start3A_65 : memref<1x128x128xf32, #tpu.memory_space<hbm>> -> memref<128x128xf32, #tpu.memory_space<hbm>>
    %dma_start3A_67 = arith.constant 0 : i32
    %dma_start3A_68 = arith.constant 0 : i32
    %dma_start3A_69 = tpu.memref_slice %arg2[%add3A_62, %dma_start3A_67, %dma_start3A_68] : memref<4096x128x128xf32, #tpu.memory_space<hbm>> -> memref<1x128x128xf32, #tpu.memory_space<hbm>>
    %dma_start3A_70 = tpu.memref_squeeze %dma_start3A_69 : memref<1x128x128xf32, #tpu.memory_space<hbm>> -> memref<128x128xf32, #tpu.memory_space<hbm>>
    tpu.enqueue_dma source(%dma_start3A_70 : memref<128x128xf32, #tpu.memory_space<hbm>>) target(%arg8 : memref<128x128xf32, #tpu.memory_space<vmem>>) target_semaphore(%arg14 : memref<!tpu.dma_semaphore, #tpu.memory_space<semaphore_mem>>)
    %add3A_71 = arith.constant 3 : i32
    %add3A_72 = arith.addi %mul3A_32, %add3A_71 : i32
    %mul3A_73 = arith.constant 4 : i32
    %mul3A_74 = arith.muli %add3A_72, %mul3A_73 : i32
    %add3A_75 = arith.addi %mul3A_74, %select_n3A_30 : i32
    %dma_start3A_76 = arith.constant 0 : i32
    %dma_start3A_77 = arith.constant 0 : i32
    %dma_start3A_78 = tpu.memref_slice %arg2[%add3A_75, %dma_start3A_76, %dma_start3A_77] : memref<4096x128x128xf32, #tpu.memory_space<hbm>> -> memref<1x128x128xf32, #tpu.memory_space<hbm>>
    %dma_start3A_79 = tpu.memref_squeeze %dma_start3A_78 : memref<1x128x128xf32, #tpu.memory_space<hbm>> -> memref<128x128xf32, #tpu.memory_space<hbm>>
    %dma_start3A_80 = arith.constant 0 : i32
    %dma_start3A_81 = arith.constant 0 : i32
    %dma_start3A_82 = tpu.memref_slice %arg2[%add3A_75, %dma_start3A_80, %dma_start3A_81] : memref<4096x128x128xf32, #tpu.memory_space<hbm>> -> memref<1x128x128xf32, #tpu.memory_space<hbm>>
    %dma_start3A_83 = tpu.memref_squeeze %dma_start3A_82 : memref<1x128x128xf32, #tpu.memory_space<hbm>> -> memref<128x128xf32, #tpu.memory_space<hbm>>
    tpu.enqueue_dma source(%dma_start3A_83 : memref<128x128xf32, #tpu.memory_space<hbm>>) target(%arg9 : memref<128x128xf32, #tpu.memory_space<vmem>>) target_semaphore(%arg15 : memref<!tpu.dma_semaphore, #tpu.memory_space<semaphore_mem>>)
    %scan3A = arith.constant 0 : i32
    %scan3A_84 = arith.constant 0 : i32
    %scan3A_85 = arith.constant 21 : i32
    %scan3A_86 = arith.addi %scan3A_84, %scan3A_85 : i32
    %scan3A_87 = arith.constant 1 : i32
    scf.for %scan3A_194 = %scan3A_84 to %scan3A_86 step %scan3A_87  : i32 {
      %mul3A_195 = arith.constant 6 : i32
      %mul3A_196 = arith.muli %scan3A_194, %mul3A_195 : i32
      %add3A_197 = arith.constant 0 : i32
      %add3A_198 = arith.addi %mul3A_196, %add3A_197 : i32
      %ge3A = arith.constant 1 : i32
      %ge3A_199 = arith.cmpi sge, %scan3A_194, %ge3A : i32
      %add3A_200 = arith.addi %mul3A_32, %add3A_198 : i32
      %mul3A_201 = arith.constant 4 : i32
      %mul3A_202 = arith.muli %add3A_200, %mul3A_201 : i32
      %add3A_203 = arith.addi %mul3A_202, %select_n3A_30 : i32
      %dma_wait3A_204 = arith.constant 0 : i32
      %dma_wait3A_205 = arith.constant 0 : i32
      %dma_wait3A_206 = tpu.memref_slice %arg2[%add3A_203, %dma_wait3A_204, %dma_wait3A_205] : memref<4096x128x128xf32, #tpu.memory_space<hbm>> -> memref<1x128x128xf32, #tpu.memory_space<hbm>>
      %dma_wait3A_207 = tpu.memref_squeeze %dma_wait3A_206 : memref<1x128x128xf32, #tpu.memory_space<hbm>> -> memref<128x128xf32, #tpu.memory_space<hbm>>
      %dma_wait3A_208 = arith.constant 0 : i32
      %dma_wait3A_209 = arith.constant 0 : i32
      %dma_wait3A_210 = tpu.memref_slice %arg2[%add3A_203, %dma_wait3A_208, %dma_wait3A_209] : memref<4096x128x128xf32, #tpu.memory_space<hbm>> -> memref<1x128x128xf32, #tpu.memory_space<hbm>>
      %dma_wait3A_211 = tpu.memref_squeeze %dma_wait3A_210 : memref<1x128x128xf32, #tpu.memory_space<hbm>> -> memref<128x128xf32, #tpu.memory_space<hbm>>
      tpu.wait_dma2 semaphore(%arg12 : memref<!tpu.dma_semaphore, #tpu.memory_space<semaphore_mem>>) src(%dma_wait3A_211 : memref<128x128xf32, #tpu.memory_space<hbm>>) dst(%arg6 : memref<128x128xf32, #tpu.memory_space<vmem>>)
      %scan3A_212 = arith.constant 0 : i32
      %scan3A_213 = arith.constant 0 : i32
      %scan3A_214 = arith.constant 128 : i32
      %scan3A_215 = arith.addi %scan3A_213, %scan3A_214 : i32
      %scan3A_216 = arith.constant 1 : i32
      scf.for %scan3A_520 = %scan3A_213 to %scan3A_215 step %scan3A_216  : i32 {
        %get3A = arith.index_cast %scan3A_520 : i32 to index
        %get3A_521 = arith.constant 0 : index
        %get3A_522 = tpu.vector_load %arg5[%get3A, %get3A_521] {strides = array<i32>} : memref<128x128xf32, #tpu.memory_space<vmem>>, vector<1x16xf32>,
        %get3A_523 = vector.shape_cast %get3A_522 : vector<1x16xf32> to vector<16xf32>
        %swap3A = arith.index_cast %scan3A_520 : i32 to index
        %swap3A_524 = arith.constant 0 : index
        %swap3A_525 = tpu.vector_load %arg6[%swap3A, %swap3A_524] {strides = array<i32>} : memref<128x128xf32, #tpu.memory_space<vmem>>, vector<1x16xf32>,
        %swap3A_526 = vector.shape_cast %swap3A_525 : vector<1x16xf32> to vector<16xf32>
        %swap3A_527 = vector.shape_cast %get3A_523 : vector<16xf32> to vector<1x16xf32>
        tpu.vector_store %arg6[%swap3A, %swap3A_524], %swap3A_527 {add = true, strides = array<i32>} : memref<128x128xf32, #tpu.memory_space<vmem>>, vector<1x16xf32>,
        %get3A_528 = arith.index_cast %scan3A_520 : i32 to index
        %get3A_529 = arith.constant 16 : index
        %get3A_530 = tpu.vector_load %arg5[%get3A_528, %get3A_529] {strides = array<i32>} : memref<128x128xf32, #tpu.memory_space<vmem>>, vector<1x16xf32>,
        %get3A_531 = vector.shape_cast %get3A_530 : vector<1x16xf32> to vector<16xf32>
        %swap3A_532 = arith.index_cast %scan3A_520 : i32 to index
        %swap3A_533 = arith.constant 16 : index
        %swap3A_534 = tpu.vector_load %arg6[%swap3A_532, %swap3A_533] {strides = array<i32>} : memref<128x128xf32, #tpu.memory_space<vmem>>, vector<1x16xf32>,
        %swap3A_535 = vector.shape_cast %swap3A_534 : vector<1x16xf32> to vector<16xf32>
        %swap3A_536 = vector.shape_cast %get3A_531 : vector<16xf32> to vector<1x16xf32>
        tpu.vector_store %arg6[%swap3A_532, %swap3A_533], %swap3A_536 {add = true, strides = array<i32>} : memref<128x128xf32, #tpu.memory_space<vmem>>, vector<1x16xf32>,
        %get3A_537 = arith.index_cast %scan3A_520 : i32 to index
        %get3A_538 = arith.constant 32 : index
        %get3A_539 = tpu.vector_load %arg5[%get3A_537, %get3A_538] {strides = array<i32>} : memref<128x128xf32, #tpu.memory_space<vmem>>, vector<1x16xf32>,
        %get3A_540 = vector.shape_cast %get3A_539 : vector<1x16xf32> to vector<16xf32>
        %swap3A_541 = arith.index_cast %scan3A_520 : i32 to index
        %swap3A_542 = arith.constant 32 : index
        %swap3A_543 = tpu.vector_load %arg6[%swap3A_541, %swap3A_542] {strides = array<i32>} : memref<128x128xf32, #tpu.memory_space<vmem>>, vector<1x16xf32>,
        %swap3A_544 = vector.shape_cast %swap3A_543 : vector<1x16xf32> to vector<16xf32>
        %swap3A_545 = vector.shape_cast %get3A_540 : vector<16xf32> to vector<1x16xf32>
        tpu.vector_store %arg6[%swap3A_541, %swap3A_542], %swap3A_545 {add = true, strides = array<i32>} : memref<128x128xf32, #tpu.memory_space<vmem>>, vector<1x16xf32>,
        %get3A_546 = arith.index_cast %scan3A_520 : i32 to index
        %get3A_547 = arith.constant 48 : index
        %get3A_548 = tpu.vector_load %arg5[%get3A_546, %get3A_547] {strides = array<i32>} : memref<128x128xf32, #tpu.memory_space<vmem>>, vector<1x16xf32>,
        %get3A_549 = vector.shape_cast %get3A_548 : vector<1x16xf32> to vector<16xf32>
        %swap3A_550 = arith.index_cast %scan3A_520 : i32 to index
        %swap3A_551 = arith.constant 48 : index
        %swap3A_552 = tpu.vector_load %arg6[%swap3A_550, %swap3A_551] {strides = array<i32>} : memref<128x128xf32, #tpu.memory_space<vmem>>, vector<1x16xf32>,
        %swap3A_553 = vector.shape_cast %swap3A_552 : vector<1x16xf32> to vector<16xf32>
        %swap3A_554 = vector.shape_cast %get3A_549 : vector<16xf32> to vector<1x16xf32>
        tpu.vector_store %arg6[%swap3A_550, %swap3A_551], %swap3A_554 {add = true, strides = array<i32>} : memref<128x128xf32, #tpu.memory_space<vmem>>, vector<1x16xf32>,
        %get3A_555 = arith.index_cast %scan3A_520 : i32 to index
        %get3A_556 = arith.constant 64 : index
        %get3A_557 = tpu.vector_load %arg5[%get3A_555, %get3A_556] {strides = array<i32>} : memref<128x128xf32, #tpu.memory_space<vmem>>, vector<1x16xf32>,
        %get3A_558 = vector.shape_cast %get3A_557 : vector<1x16xf32> to vector<16xf32>
        %swap3A_559 = arith.index_cast %scan3A_520 : i32 to index
        %swap3A_560 = arith.constant 64 : index
        %swap3A_561 = tpu.vector_load %arg6[%swap3A_559, %swap3A_560] {strides = array<i32>} : memref<128x128xf32, #tpu.memory_space<vmem>>, vector<1x16xf32>,
        %swap3A_562 = vector.shape_cast %swap3A_561 : vector<1x16xf32> to vector<16xf32>
        %swap3A_563 = vector.shape_cast %get3A_558 : vector<16xf32> to vector<1x16xf32>
        tpu.vector_store %arg6[%swap3A_559, %swap3A_560], %swap3A_563 {add = true, strides = array<i32>} : memref<128x128xf32, #tpu.memory_space<vmem>>, vector<1x16xf32>,
        %get3A_564 = arith.index_cast %scan3A_520 : i32 to index
        %get3A_565 = arith.constant 80 : index
        %get3A_566 = tpu.vector_load %arg5[%get3A_564, %get3A_565] {strides = array<i32>} : memref<128x128xf32, #tpu.memory_space<vmem>>, vector<1x16xf32>,
        %get3A_567 = vector.shape_cast %get3A_566 : vector<1x16xf32> to vector<16xf32>
        %swap3A_568 = arith.index_cast %scan3A_520 : i32 to index
        %swap3A_569 = arith.constant 80 : index
        %swap3A_570 = tpu.vector_load %arg6[%swap3A_568, %swap3A_569] {strides = array<i32>} : memref<128x128xf32, #tpu.memory_space<vmem>>, vector<1x16xf32>,
        %swap3A_571 = vector.shape_cast %swap3A_570 : vector<1x16xf32> to vector<16xf32>
        %swap3A_572 = vector.shape_cast %get3A_567 : vector<16xf32> to vector<1x16xf32>
        tpu.vector_store %arg6[%swap3A_568, %swap3A_569], %swap3A_572 {add = true, strides = array<i32>} : memref<128x128xf32, #tpu.memory_space<vmem>>, vector<1x16xf32>,
        %get3A_573 = arith.index_cast %scan3A_520 : i32 to index
        %get3A_574 = arith.constant 96 : index
        %get3A_575 = tpu.vector_load %arg5[%get3A_573, %get3A_574] {strides = array<i32>} : memref<128x128xf32, #tpu.memory_space<vmem>>, vector<1x16xf32>,
        %get3A_576 = vector.shape_cast %get3A_575 : vector<1x16xf32> to vector<16xf32>
        %swap3A_577 = arith.index_cast %scan3A_520 : i32 to index
        %swap3A_578 = arith.constant 96 : index
        %swap3A_579 = tpu.vector_load %arg6[%swap3A_577, %swap3A_578] {strides = array<i32>} : memref<128x128xf32, #tpu.memory_space<vmem>>, vector<1x16xf32>,
        %swap3A_580 = vector.shape_cast %swap3A_579 : vector<1x16xf32> to vector<16xf32>
        %swap3A_581 = vector.shape_cast %get3A_576 : vector<16xf32> to vector<1x16xf32>
        tpu.vector_store %arg6[%swap3A_577, %swap3A_578], %swap3A_581 {add = true, strides = array<i32>} : memref<128x128xf32, #tpu.memory_space<vmem>>, vector<1x16xf32>,
        %get3A_582 = arith.index_cast %scan3A_520 : i32 to index
        %get3A_583 = arith.constant 112 : index
        %get3A_584 = tpu.vector_load %arg5[%get3A_582, %get3A_583] {strides = array<i32>} : memref<128x128xf32, #tpu.memory_space<vmem>>, vector<1x16xf32>,
        %get3A_585 = vector.shape_cast %get3A_584 : vector<1x16xf32> to vector<16xf32>
        %swap3A_586 = arith.index_cast %scan3A_520 : i32 to index
        %swap3A_587 = arith.constant 112 : index
        %swap3A_588 = tpu.vector_load %arg6[%swap3A_586, %swap3A_587] {strides = array<i32>} : memref<128x128xf32, #tpu.memory_space<vmem>>, vector<1x16xf32>,
        %swap3A_589 = vector.shape_cast %swap3A_588 : vector<1x16xf32> to vector<16xf32>
        %swap3A_590 = vector.shape_cast %get3A_585 : vector<16xf32> to vector<1x16xf32>
        tpu.vector_store %arg6[%swap3A_586, %swap3A_587], %swap3A_590 {add = true, strides = array<i32>} : memref<128x128xf32, #tpu.memory_space<vmem>>, vector<1x16xf32>,
      }
      %scan3A_217 = arith.constant 128 : i32
      %dma_start3A_218 = arith.constant 0 : i32
      %dma_start3A_219 = arith.constant 0 : i32
      %dma_start3A_220 = tpu.memref_slice %arg4[%add3A_203, %dma_start3A_218, %dma_start3A_219] : memref<4096x128x128xf32, #tpu.memory_space<hbm>> -> memref<1x128x128xf32, #tpu.memory_space<hbm>>
      %dma_start3A_221 = tpu.memref_squeeze %dma_start3A_220 : memref<1x128x128xf32, #tpu.memory_space<hbm>> -> memref<128x128xf32, #tpu.memory_space<hbm>>
      %dma_start3A_222 = arith.constant 0 : i32
      %dma_start3A_223 = arith.constant 0 : i32
      %dma_start3A_224 = tpu.memref_slice %arg4[%add3A_203, %dma_start3A_222, %dma_start3A_223] : memref<4096x128x128xf32, #tpu.memory_space<hbm>> -> memref<1x128x128xf32, #tpu.memory_space<hbm>>
      %dma_start3A_225 = tpu.memref_squeeze %dma_start3A_224 : memref<1x128x128xf32, #tpu.memory_space<hbm>> -> memref<128x128xf32, #tpu.memory_space<hbm>>
      tpu.enqueue_dma source(%arg6 : memref<128x128xf32, #tpu.memory_space<vmem>>) target(%dma_start3A_225 : memref<128x128xf32, #tpu.memory_space<hbm>>) target_semaphore(%arg18 : memref<!tpu.dma_semaphore, #tpu.memory_space<semaphore_mem>>)
      %add3A_226 = arith.constant 4 : i32
      %add3A_227 = arith.addi %add3A_198, %add3A_226 : i32
      %sub3A_228 = arith.constant 6 : i32
      %sub3A_229 = arith.subi %add3A_227, %sub3A_228 : i32
      %convert_element_type3A = arith.extui %ge3A_199 : i1 to i32
      %cond3A = arith.constant 0 : i32
      %cond3A_230 = arith.cmpi ne, %convert_element_type3A, %cond3A : i32
      scf.if %cond3A_230 {
        %add3A_520 = arith.addi %mul3A_32, %sub3A_229 : i32
        %mul3A_521 = arith.constant 4 : i32
        %mul3A_522 = arith.muli %add3A_520, %mul3A_521 : i32
        %add3A_523 = arith.addi %mul3A_522, %select_n3A_30 : i32
        %dma_wait3A_524 = arith.constant 0 : i32
        %dma_wait3A_525 = arith.constant 0 : i32
        %dma_wait3A_526 = tpu.memref_slice %arg4[%add3A_523, %dma_wait3A_524, %dma_wait3A_525] : memref<4096x128x128xf32, #tpu.memory_space<hbm>> -> memref<1x128x128xf32, #tpu.memory_space<hbm>>
        %dma_wait3A_527 = tpu.memref_squeeze %dma_wait3A_526 : memref<1x128x128xf32, #tpu.memory_space<hbm>> -> memref<128x128xf32, #tpu.memory_space<hbm>>
        %dma_wait3A_528 = arith.constant 0 : i32
        %dma_wait3A_529 = arith.constant 0 : i32
        %dma_wait3A_530 = tpu.memref_slice %arg4[%add3A_523, %dma_wait3A_528, %dma_wait3A_529] : memref<4096x128x128xf32, #tpu.memory_space<hbm>> -> memref<1x128x128xf32, #tpu.memory_space<hbm>>
        %dma_wait3A_531 = tpu.memref_squeeze %dma_wait3A_530 : memref<1x128x128xf32, #tpu.memory_space<hbm>> -> memref<128x128xf32, #tpu.memory_space<hbm>>
        tpu.wait_dma2 semaphore(%arg22 : memref<!tpu.dma_semaphore, #tpu.memory_space<semaphore_mem>>) src(%arg10 : memref<128x128xf32, #tpu.memory_space<vmem>>) dst(%dma_wait3A_531 : memref<128x128xf32, #tpu.memory_space<hbm>>)
      } else {
      }
      %add3A_231 = arith.constant 4 : i32
      %add3A_232 = arith.addi %add3A_198, %add3A_231 : i32
      %add3A_233 = arith.addi %mul3A_32, %add3A_232 : i32
      %mul3A_234 = arith.constant 4 : i32
      %mul3A_235 = arith.muli %add3A_233, %mul3A_234 : i32
      %add3A_236 = arith.addi %mul3A_235, %select_n3A_30 : i32
      %dma_start3A_237 = arith.constant 0 : i32
      %dma_start3A_238 = arith.constant 0 : i32
      %dma_start3A_239 = tpu.memref_slice %arg2[%add3A_236, %dma_start3A_237, %dma_start3A_238] : memref<4096x128x128xf32, #tpu.memory_space<hbm>> -> memref<1x128x128xf32, #tpu.memory_space<hbm>>
      %dma_start3A_240 = tpu.memref_squeeze %dma_start3A_239 : memref<1x128x128xf32, #tpu.memory_space<hbm>> -> memref<128x128xf32, #tpu.memory_space<hbm>>
      %dma_start3A_241 = arith.constant 0 : i32
      %dma_start3A_242 = arith.constant 0 : i32
      %dma_start3A_243 = tpu.memref_slice %arg2[%add3A_236, %dma_start3A_241, %dma_start3A_242] : memref<4096x128x128xf32, #tpu.memory_space<hbm>> -> memref<1x128x128xf32, #tpu.memory_space<hbm>>
      %dma_start3A_244 = tpu.memref_squeeze %dma_start3A_243 : memref<1x128x128xf32, #tpu.memory_space<hbm>> -> memref<128x128xf32, #tpu.memory_space<hbm>>
      tpu.enqueue_dma source(%dma_start3A_244 : memref<128x128xf32, #tpu.memory_space<hbm>>) target(%arg10 : memref<128x128xf32, #tpu.memory_space<vmem>>) target_semaphore(%arg16 : memref<!tpu.dma_semaphore, #tpu.memory_space<semaphore_mem>>)
      %mul3A_245 = arith.constant 6 : i32
      %mul3A_246 = arith.muli %scan3A_194, %mul3A_245 : i32
      %add3A_247 = arith.constant 1 : i32
      %add3A_248 = arith.addi %mul3A_246, %add3A_247 : i32
      %ge3A_249 = arith.constant 1 : i32
      %ge3A_250 = arith.cmpi sge, %scan3A_194, %ge3A_249 : i32
      %add3A_251 = arith.addi %mul3A_32, %add3A_248 : i32
      %mul3A_252 = arith.constant 4 : i32
      %mul3A_253 = arith.muli %add3A_251, %mul3A_252 : i32
      %add3A_254 = arith.addi %mul3A_253, %select_n3A_30 : i32
      %dma_wait3A_255 = arith.constant 0 : i32
      %dma_wait3A_256 = arith.constant 0 : i32
      %dma_wait3A_257 = tpu.memref_slice %arg2[%add3A_254, %dma_wait3A_255, %dma_wait3A_256] : memref<4096x128x128xf32, #tpu.memory_space<hbm>> -> memref<1x128x128xf32, #tpu.memory_space<hbm>>
      %dma_wait3A_258 = tpu.memref_squeeze %dma_wait3A_257 : memref<1x128x128xf32, #tpu.memory_space<hbm>> -> memref<128x128xf32, #tpu.memory_space<hbm>>
      %dma_wait3A_259 = arith.constant 0 : i32
      %dma_wait3A_260 = arith.constant 0 : i32
      %dma_wait3A_261 = tpu.memref_slice %arg2[%add3A_254, %dma_wait3A_259, %dma_wait3A_260] : memref<4096x128x128xf32, #tpu.memory_space<hbm>> -> memref<1x128x128xf32, #tpu.memory_space<hbm>>
      %dma_wait3A_262 = tpu.memref_squeeze %dma_wait3A_261 : memref<1x128x128xf32, #tpu.memory_space<hbm>> -> memref<128x128xf32, #tpu.memory_space<hbm>>
      tpu.wait_dma2 semaphore(%arg13 : memref<!tpu.dma_semaphore, #tpu.memory_space<semaphore_mem>>) src(%dma_wait3A_262 : memref<128x128xf32, #tpu.memory_space<hbm>>) dst(%arg7 : memref<128x128xf32, #tpu.memory_space<vmem>>)
      %scan3A_263 = arith.constant 0 : i32
      %scan3A_264 = arith.constant 0 : i32
      %scan3A_265 = arith.constant 128 : i32
      %scan3A_266 = arith.addi %scan3A_264, %scan3A_265 : i32
      %scan3A_267 = arith.constant 1 : i32
      scf.for %scan3A_520 = %scan3A_264 to %scan3A_266 step %scan3A_267  : i32 {
        %get3A = arith.index_cast %scan3A_520 : i32 to index
        %get3A_521 = arith.constant 0 : index
        %get3A_522 = tpu.vector_load %arg5[%get3A, %get3A_521] {strides = array<i32>} : memref<128x128xf32, #tpu.memory_space<vmem>>, vector<1x16xf32>,
        %get3A_523 = vector.shape_cast %get3A_522 : vector<1x16xf32> to vector<16xf32>
        %swap3A = arith.index_cast %scan3A_520 : i32 to index
        %swap3A_524 = arith.constant 0 : index
        %swap3A_525 = tpu.vector_load %arg7[%swap3A, %swap3A_524] {strides = array<i32>} : memref<128x128xf32, #tpu.memory_space<vmem>>, vector<1x16xf32>,
        %swap3A_526 = vector.shape_cast %swap3A_525 : vector<1x16xf32> to vector<16xf32>
        %swap3A_527 = vector.shape_cast %get3A_523 : vector<16xf32> to vector<1x16xf32>
        tpu.vector_store %arg7[%swap3A, %swap3A_524], %swap3A_527 {add = true, strides = array<i32>} : memref<128x128xf32, #tpu.memory_space<vmem>>, vector<1x16xf32>,
        %get3A_528 = arith.index_cast %scan3A_520 : i32 to index
        %get3A_529 = arith.constant 16 : index
        %get3A_530 = tpu.vector_load %arg5[%get3A_528, %get3A_529] {strides = array<i32>} : memref<128x128xf32, #tpu.memory_space<vmem>>, vector<1x16xf32>,
        %get3A_531 = vector.shape_cast %get3A_530 : vector<1x16xf32> to vector<16xf32>
        %swap3A_532 = arith.index_cast %scan3A_520 : i32 to index
        %swap3A_533 = arith.constant 16 : index
        %swap3A_534 = tpu.vector_load %arg7[%swap3A_532, %swap3A_533] {strides = array<i32>} : memref<128x128xf32, #tpu.memory_space<vmem>>, vector<1x16xf32>,
        %swap3A_535 = vector.shape_cast %swap3A_534 : vector<1x16xf32> to vector<16xf32>
        %swap3A_536 = vector.shape_cast %get3A_531 : vector<16xf32> to vector<1x16xf32>
        tpu.vector_store %arg7[%swap3A_532, %swap3A_533], %swap3A_536 {add = true, strides = array<i32>} : memref<128x128xf32, #tpu.memory_space<vmem>>, vector<1x16xf32>,
        %get3A_537 = arith.index_cast %scan3A_520 : i32 to index
        %get3A_538 = arith.constant 32 : index
        %get3A_539 = tpu.vector_load %arg5[%get3A_537, %get3A_538] {strides = array<i32>} : memref<128x128xf32, #tpu.memory_space<vmem>>, vector<1x16xf32>,
        %get3A_540 = vector.shape_cast %get3A_539 : vector<1x16xf32> to vector<16xf32>
        %swap3A_541 = arith.index_cast %scan3A_520 : i32 to index
        %swap3A_542 = arith.constant 32 : index
        %swap3A_543 = tpu.vector_load %arg7[%swap3A_541, %swap3A_542] {strides = array<i32>} : memref<128x128xf32, #tpu.memory_space<vmem>>, vector<1x16xf32>,
        %swap3A_544 = vector.shape_cast %swap3A_543 : vector<1x16xf32> to vector<16xf32>
        %swap3A_545 = vector.shape_cast %get3A_540 : vector<16xf32> to vector<1x16xf32>
        tpu.vector_store %arg7[%swap3A_541, %swap3A_542], %swap3A_545 {add = true, strides = array<i32>} : memref<128x128xf32, #tpu.memory_space<vmem>>, vector<1x16xf32>,
        %get3A_546 = arith.index_cast %scan3A_520 : i32 to index
        %get3A_547 = arith.constant 48 : index
        %get3A_548 = tpu.vector_load %arg5[%get3A_546, %get3A_547] {strides = array<i32>} : memref<128x128xf32, #tpu.memory_space<vmem>>, vector<1x16xf32>,
        %get3A_549 = vector.shape_cast %get3A_548 : vector<1x16xf32> to vector<16xf32>
        %swap3A_550 = arith.index_cast %scan3A_520 : i32 to index
        %swap3A_551 = arith.constant 48 : index
        %swap3A_552 = tpu.vector_load %arg7[%swap3A_550, %swap3A_551] {strides = array<i32>} : memref<128x128xf32, #tpu.memory_space<vmem>>, vector<1x16xf32>,
        %swap3A_553 = vector.shape_cast %swap3A_552 : vector<1x16xf32> to vector<16xf32>
        %swap3A_554 = vector.shape_cast %get3A_549 : vector<16xf32> to vector<1x16xf32>
        tpu.vector_store %arg7[%swap3A_550, %swap3A_551], %swap3A_554 {add = true, strides = array<i32>} : memref<128x128xf32, #tpu.memory_space<vmem>>, vector<1x16xf32>,
        %get3A_555 = arith.index_cast %scan3A_520 : i32 to index
        %get3A_556 = arith.constant 64 : index
        %get3A_557 = tpu.vector_load %arg5[%get3A_555, %get3A_556] {strides = array<i32>} : memref<128x128xf32, #tpu.memory_space<vmem>>, vector<1x16xf32>,
        %get3A_558 = vector.shape_cast %get3A_557 : vector<1x16xf32> to vector<16xf32>
        %swap3A_559 = arith.index_cast %scan3A_520 : i32 to index
        %swap3A_560 = arith.constant 64 : index
        %swap3A_561 = tpu.vector_load %arg7[%swap3A_559, %swap3A_560] {strides = array<i32>} : memref<128x128xf32, #tpu.memory_space<vmem>>, vector<1x16xf32>,
        %swap3A_562 = vector.shape_cast %swap3A_561 : vector<1x16xf32> to vector<16xf32>
        %swap3A_563 = vector.shape_cast %get3A_558 : vector<16xf32> to vector<1x16xf32>
        tpu.vector_store %arg7[%swap3A_559, %swap3A_560], %swap3A_563 {add = true, strides = array<i32>} : memref<128x128xf32, #tpu.memory_space<vmem>>, vector<1x16xf32>,
        %get3A_564 = arith.index_cast %scan3A_520 : i32 to index
        %get3A_565 = arith.constant 80 : index
        %get3A_566 = tpu.vector_load %arg5[%get3A_564, %get3A_565] {strides = array<i32>} : memref<128x128xf32, #tpu.memory_space<vmem>>, vector<1x16xf32>,
        %get3A_567 = vector.shape_cast %get3A_566 : vector<1x16xf32> to vector<16xf32>
        %swap3A_568 = arith.index_cast %scan3A_520 : i32 to index
        %swap3A_569 = arith.constant 80 : index
        %swap3A_570 = tpu.vector_load %arg7[%swap3A_568, %swap3A_569] {strides = array<i32>} : memref<128x128xf32, #tpu.memory_space<vmem>>, vector<1x16xf32>,
        %swap3A_571 = vector.shape_cast %swap3A_570 : vector<1x16xf32> to vector<16xf32>
        %swap3A_572 = vector.shape_cast %get3A_567 : vector<16xf32> to vector<1x16xf32>
        tpu.vector_store %arg7[%swap3A_568, %swap3A_569], %swap3A_572 {add = true, strides = array<i32>} : memref<128x128xf32, #tpu.memory_space<vmem>>, vector<1x16xf32>,
        %get3A_573 = arith.index_cast %scan3A_520 : i32 to index
        %get3A_574 = arith.constant 96 : index
        %get3A_575 = tpu.vector_load %arg5[%get3A_573, %get3A_574] {strides = array<i32>} : memref<128x128xf32, #tpu.memory_space<vmem>>, vector<1x16xf32>,
        %get3A_576 = vector.shape_cast %get3A_575 : vector<1x16xf32> to vector<16xf32>
        %swap3A_577 = arith.index_cast %scan3A_520 : i32 to index
        %swap3A_578 = arith.constant 96 : index
        %swap3A_579 = tpu.vector_load %arg7[%swap3A_577, %swap3A_578] {strides = array<i32>} : memref<128x128xf32, #tpu.memory_space<vmem>>, vector<1x16xf32>,
        %swap3A_580 = vector.shape_cast %swap3A_579 : vector<1x16xf32> to vector<16xf32>
        %swap3A_581 = vector.shape_cast %get3A_576 : vector<16xf32> to vector<1x16xf32>
        tpu.vector_store %arg7[%swap3A_577, %swap3A_578], %swap3A_581 {add = true, strides = array<i32>} : memref<128x128xf32, #tpu.memory_space<vmem>>, vector<1x16xf32>,
        %get3A_582 = arith.index_cast %scan3A_520 : i32 to index
        %get3A_583 = arith.constant 112 : index
        %get3A_584 = tpu.vector_load %arg5[%get3A_582, %get3A_583] {strides = array<i32>} : memref<128x128xf32, #tpu.memory_space<vmem>>, vector<1x16xf32>,
        %get3A_585 = vector.shape_cast %get3A_584 : vector<1x16xf32> to vector<16xf32>
        %swap3A_586 = arith.index_cast %scan3A_520 : i32 to index
        %swap3A_587 = arith.constant 112 : index
        %swap3A_588 = tpu.vector_load %arg7[%swap3A_586, %swap3A_587] {strides = array<i32>} : memref<128x128xf32, #tpu.memory_space<vmem>>, vector<1x16xf32>,
        %swap3A_589 = vector.shape_cast %swap3A_588 : vector<1x16xf32> to vector<16xf32>
        %swap3A_590 = vector.shape_cast %get3A_585 : vector<16xf32> to vector<1x16xf32>
        tpu.vector_store %arg7[%swap3A_586, %swap3A_587], %swap3A_590 {add = true, strides = array<i32>} : memref<128x128xf32, #tpu.memory_space<vmem>>, vector<1x16xf32>,
      }
      %scan3A_268 = arith.constant 128 : i32
      %dma_start3A_269 = arith.constant 0 : i32
      %dma_start3A_270 = arith.constant 0 : i32
      %dma_start3A_271 = tpu.memref_slice %arg4[%add3A_254, %dma_start3A_269, %dma_start3A_270] : memref<4096x128x128xf32, #tpu.memory_space<hbm>> -> memref<1x128x128xf32, #tpu.memory_space<hbm>>
      %dma_start3A_272 = tpu.memref_squeeze %dma_start3A_271 : memref<1x128x128xf32, #tpu.memory_space<hbm>> -> memref<128x128xf32, #tpu.memory_space<hbm>>
      %dma_start3A_273 = arith.constant 0 : i32
      %dma_start3A_274 = arith.constant 0 : i32
      %dma_start3A_275 = tpu.memref_slice %arg4[%add3A_254, %dma_start3A_273, %dma_start3A_274] : memref<4096x128x128xf32, #tpu.memory_space<hbm>> -> memref<1x128x128xf32, #tpu.memory_space<hbm>>
      %dma_start3A_276 = tpu.memref_squeeze %dma_start3A_275 : memref<1x128x128xf32, #tpu.memory_space<hbm>> -> memref<128x128xf32, #tpu.memory_space<hbm>>
      tpu.enqueue_dma source(%arg7 : memref<128x128xf32, #tpu.memory_space<vmem>>) target(%dma_start3A_276 : memref<128x128xf32, #tpu.memory_space<hbm>>) target_semaphore(%arg19 : memref<!tpu.dma_semaphore, #tpu.memory_space<semaphore_mem>>)
      %add3A_277 = arith.constant 4 : i32
      %add3A_278 = arith.addi %add3A_248, %add3A_277 : i32
      %sub3A_279 = arith.constant 6 : i32
      %sub3A_280 = arith.subi %add3A_278, %sub3A_279 : i32
      %convert_element_type3A_281 = arith.extui %ge3A_250 : i1 to i32
      %cond3A_282 = arith.constant 0 : i32
      %cond3A_283 = arith.cmpi ne, %convert_element_type3A_281, %cond3A_282 : i32
      scf.if %cond3A_283 {
        %add3A_520 = arith.addi %mul3A_32, %sub3A_280 : i32
        %mul3A_521 = arith.constant 4 : i32
        %mul3A_522 = arith.muli %add3A_520, %mul3A_521 : i32
        %add3A_523 = arith.addi %mul3A_522, %select_n3A_30 : i32
        %dma_wait3A_524 = arith.constant 0 : i32
        %dma_wait3A_525 = arith.constant 0 : i32
        %dma_wait3A_526 = tpu.memref_slice %arg4[%add3A_523, %dma_wait3A_524, %dma_wait3A_525] : memref<4096x128x128xf32, #tpu.memory_space<hbm>> -> memref<1x128x128xf32, #tpu.memory_space<hbm>>
        %dma_wait3A_527 = tpu.memref_squeeze %dma_wait3A_526 : memref<1x128x128xf32, #tpu.memory_space<hbm>> -> memref<128x128xf32, #tpu.memory_space<hbm>>
        %dma_wait3A_528 = arith.constant 0 : i32
        %dma_wait3A_529 = arith.constant 0 : i32
        %dma_wait3A_530 = tpu.memref_slice %arg4[%add3A_523, %dma_wait3A_528, %dma_wait3A_529] : memref<4096x128x128xf32, #tpu.memory_space<hbm>> -> memref<1x128x128xf32, #tpu.memory_space<hbm>>
        %dma_wait3A_531 = tpu.memref_squeeze %dma_wait3A_530 : memref<1x128x128xf32, #tpu.memory_space<hbm>> -> memref<128x128xf32, #tpu.memory_space<hbm>>
        tpu.wait_dma2 semaphore(%arg23 : memref<!tpu.dma_semaphore, #tpu.memory_space<semaphore_mem>>) src(%arg11 : memref<128x128xf32, #tpu.memory_space<vmem>>) dst(%dma_wait3A_531 : memref<128x128xf32, #tpu.memory_space<hbm>>)
      } else {
      }
      %add3A_284 = arith.constant 4 : i32
      %add3A_285 = arith.addi %add3A_248, %add3A_284 : i32
      %add3A_286 = arith.addi %mul3A_32, %add3A_285 : i32
      %mul3A_287 = arith.constant 4 : i32
      %mul3A_288 = arith.muli %add3A_286, %mul3A_287 : i32
      %add3A_289 = arith.addi %mul3A_288, %select_n3A_30 : i32
      %dma_start3A_290 = arith.constant 0 : i32
      %dma_start3A_291 = arith.constant 0 : i32
      %dma_start3A_292 = tpu.memref_slice %arg2[%add3A_289, %dma_start3A_290, %dma_start3A_291] : memref<4096x128x128xf32, #tpu.memory_space<hbm>> -> memref<1x128x128xf32, #tpu.memory_space<hbm>>
      %dma_start3A_293 = tpu.memref_squeeze %dma_start3A_292 : memref<1x128x128xf32, #tpu.memory_space<hbm>> -> memref<128x128xf32, #tpu.memory_space<hbm>>
      %dma_start3A_294 = arith.constant 0 : i32
      %dma_start3A_295 = arith.constant 0 : i32
      %dma_start3A_296 = tpu.memref_slice %arg2[%add3A_289, %dma_start3A_294, %dma_start3A_295] : memref<4096x128x128xf32, #tpu.memory_space<hbm>> -> memref<1x128x128xf32, #tpu.memory_space<hbm>>
      %dma_start3A_297 = tpu.memref_squeeze %dma_start3A_296 : memref<1x128x128xf32, #tpu.memory_space<hbm>> -> memref<128x128xf32, #tpu.memory_space<hbm>>
      tpu.enqueue_dma source(%dma_start3A_297 : memref<128x128xf32, #tpu.memory_space<hbm>>) target(%arg11 : memref<128x128xf32, #tpu.memory_space<vmem>>) target_semaphore(%arg17 : memref<!tpu.dma_semaphore, #tpu.memory_space<semaphore_mem>>)
      %mul3A_298 = arith.constant 6 : i32
      %mul3A_299 = arith.muli %scan3A_194, %mul3A_298 : i32
      %add3A_300 = arith.constant 2 : i32
      %add3A_301 = arith.addi %mul3A_299, %add3A_300 : i32
      %add3A_302 = arith.addi %mul3A_32, %add3A_301 : i32
      %mul3A_303 = arith.constant 4 : i32
      %mul3A_304 = arith.muli %add3A_302, %mul3A_303 : i32
      %add3A_305 = arith.addi %mul3A_304, %select_n3A_30 : i32
      %dma_wait3A_306 = arith.constant 0 : i32
      %dma_wait3A_307 = arith.constant 0 : i32
      %dma_wait3A_308 = tpu.memref_slice %arg2[%add3A_305, %dma_wait3A_306, %dma_wait3A_307] : memref<4096x128x128xf32, #tpu.memory_space<hbm>> -> memref<1x128x128xf32, #tpu.memory_space<hbm>>
      %dma_wait3A_309 = tpu.memref_squeeze %dma_wait3A_308 : memref<1x128x128xf32, #tpu.memory_space<hbm>> -> memref<128x128xf32, #tpu.memory_space<hbm>>
      %dma_wait3A_310 = arith.constant 0 : i32
      %dma_wait3A_311 = arith.constant 0 : i32
      %dma_wait3A_312 = tpu.memref_slice %arg2[%add3A_305, %dma_wait3A_310, %dma_wait3A_311] : memref<4096x128x128xf32, #tpu.memory_space<hbm>> -> memref<1x128x128xf32, #tpu.memory_space<hbm>>
      %dma_wait3A_313 = tpu.memref_squeeze %dma_wait3A_312 : memref<1x128x128xf32, #tpu.memory_space<hbm>> -> memref<128x128xf32, #tpu.memory_space<hbm>>
      tpu.wait_dma2 semaphore(%arg14 : memref<!tpu.dma_semaphore, #tpu.memory_space<semaphore_mem>>) src(%dma_wait3A_313 : memref<128x128xf32, #tpu.memory_space<hbm>>) dst(%arg8 : memref<128x128xf32, #tpu.memory_space<vmem>>)
      %scan3A_314 = arith.constant 0 : i32
      %scan3A_315 = arith.constant 0 : i32
      %scan3A_316 = arith.constant 128 : i32
      %scan3A_317 = arith.addi %scan3A_315, %scan3A_316 : i32
      %scan3A_318 = arith.constant 1 : i32
      scf.for %scan3A_520 = %scan3A_315 to %scan3A_317 step %scan3A_318  : i32 {
        %get3A = arith.index_cast %scan3A_520 : i32 to index
        %get3A_521 = arith.constant 0 : index
        %get3A_522 = tpu.vector_load %arg5[%get3A, %get3A_521] {strides = array<i32>} : memref<128x128xf32, #tpu.memory_space<vmem>>, vector<1x16xf32>,
        %get3A_523 = vector.shape_cast %get3A_522 : vector<1x16xf32> to vector<16xf32>
        %swap3A = arith.index_cast %scan3A_520 : i32 to index
        %swap3A_524 = arith.constant 0 : index
        %swap3A_525 = tpu.vector_load %arg8[%swap3A, %swap3A_524] {strides = array<i32>} : memref<128x128xf32, #tpu.memory_space<vmem>>, vector<1x16xf32>,
        %swap3A_526 = vector.shape_cast %swap3A_525 : vector<1x16xf32> to vector<16xf32>
        %swap3A_527 = vector.shape_cast %get3A_523 : vector<16xf32> to vector<1x16xf32>
        tpu.vector_store %arg8[%swap3A, %swap3A_524], %swap3A_527 {add = true, strides = array<i32>} : memref<128x128xf32, #tpu.memory_space<vmem>>, vector<1x16xf32>,
        %get3A_528 = arith.index_cast %scan3A_520 : i32 to index
        %get3A_529 = arith.constant 16 : index
        %get3A_530 = tpu.vector_load %arg5[%get3A_528, %get3A_529] {strides = array<i32>} : memref<128x128xf32, #tpu.memory_space<vmem>>, vector<1x16xf32>,
        %get3A_531 = vector.shape_cast %get3A_530 : vector<1x16xf32> to vector<16xf32>
        %swap3A_532 = arith.index_cast %scan3A_520 : i32 to index
        %swap3A_533 = arith.constant 16 : index
        %swap3A_534 = tpu.vector_load %arg8[%swap3A_532, %swap3A_533] {strides = array<i32>} : memref<128x128xf32, #tpu.memory_space<vmem>>, vector<1x16xf32>,
        %swap3A_535 = vector.shape_cast %swap3A_534 : vector<1x16xf32> to vector<16xf32>
        %swap3A_536 = vector.shape_cast %get3A_531 : vector<16xf32> to vector<1x16xf32>
        tpu.vector_store %arg8[%swap3A_532, %swap3A_533], %swap3A_536 {add = true, strides = array<i32>} : memref<128x128xf32, #tpu.memory_space<vmem>>, vector<1x16xf32>,
        %get3A_537 = arith.index_cast %scan3A_520 : i32 to index
        %get3A_538 = arith.constant 32 : index
        %get3A_539 = tpu.vector_load %arg5[%get3A_537, %get3A_538] {strides = array<i32>} : memref<128x128xf32, #tpu.memory_space<vmem>>, vector<1x16xf32>,
        %get3A_540 = vector.shape_cast %get3A_539 : vector<1x16xf32> to vector<16xf32>
        %swap3A_541 = arith.index_cast %scan3A_520 : i32 to index
        %swap3A_542 = arith.constant 32 : index
        %swap3A_543 = tpu.vector_load %arg8[%swap3A_541, %swap3A_542] {strides = array<i32>} : memref<128x128xf32, #tpu.memory_space<vmem>>, vector<1x16xf32>,
        %swap3A_544 = vector.shape_cast %swap3A_543 : vector<1x16xf32> to vector<16xf32>
        %swap3A_545 = vector.shape_cast %get3A_540 : vector<16xf32> to vector<1x16xf32>
        tpu.vector_store %arg8[%swap3A_541, %swap3A_542], %swap3A_545 {add = true, strides = array<i32>} : memref<128x128xf32, #tpu.memory_space<vmem>>, vector<1x16xf32>,
        %get3A_546 = arith.index_cast %scan3A_520 : i32 to index
        %get3A_547 = arith.constant 48 : index
        %get3A_548 = tpu.vector_load %arg5[%get3A_546, %get3A_547] {strides = array<i32>} : memref<128x128xf32, #tpu.memory_space<vmem>>, vector<1x16xf32>,
        %get3A_549 = vector.shape_cast %get3A_548 : vector<1x16xf32> to vector<16xf32>
        %swap3A_550 = arith.index_cast %scan3A_520 : i32 to index
        %swap3A_551 = arith.constant 48 : index
        %swap3A_552 = tpu.vector_load %arg8[%swap3A_550, %swap3A_551] {strides = array<i32>} : memref<128x128xf32, #tpu.memory_space<vmem>>, vector<1x16xf32>,
        %swap3A_553 = vector.shape_cast %swap3A_552 : vector<1x16xf32> to vector<16xf32>
        %swap3A_554 = vector.shape_cast %get3A_549 : vector<16xf32> to vector<1x16xf32>
        tpu.vector_store %arg8[%swap3A_550, %swap3A_551], %swap3A_554 {add = true, strides = array<i32>} : memref<128x128xf32, #tpu.memory_space<vmem>>, vector<1x16xf32>,
        %get3A_555 = arith.index_cast %scan3A_520 : i32 to index
        %get3A_556 = arith.constant 64 : index
        %get3A_557 = tpu.vector_load %arg5[%get3A_555, %get3A_556] {strides = array<i32>} : memref<128x128xf32, #tpu.memory_space<vmem>>, vector<1x16xf32>,
        %get3A_558 = vector.shape_cast %get3A_557 : vector<1x16xf32> to vector<16xf32>
        %swap3A_559 = arith.index_cast %scan3A_520 : i32 to index
        %swap3A_560 = arith.constant 64 : index
        %swap3A_561 = tpu.vector_load %arg8[%swap3A_559, %swap3A_560] {strides = array<i32>} : memref<128x128xf32, #tpu.memory_space<vmem>>, vector<1x16xf32>,
        %swap3A_562 = vector.shape_cast %swap3A_561 : vector<1x16xf32> to vector<16xf32>
        %swap3A_563 = vector.shape_cast %get3A_558 : vector<16xf32> to vector<1x16xf32>
        tpu.vector_store %arg8[%swap3A_559, %swap3A_560], %swap3A_563 {add = true, strides = array<i32>} : memref<128x128xf32, #tpu.memory_space<vmem>>, vector<1x16xf32>,
        %get3A_564 = arith.index_cast %scan3A_520 : i32 to index
        %get3A_565 = arith.constant 80 : index
        %get3A_566 = tpu.vector_load %arg5[%get3A_564, %get3A_565] {strides = array<i32>} : memref<128x128xf32, #tpu.memory_space<vmem>>, vector<1x16xf32>,
        %get3A_567 = vector.shape_cast %get3A_566 : vector<1x16xf32> to vector<16xf32>
        %swap3A_568 = arith.index_cast %scan3A_520 : i32 to index
        %swap3A_569 = arith.constant 80 : index
        %swap3A_570 = tpu.vector_load %arg8[%swap3A_568, %swap3A_569] {strides = array<i32>} : memref<128x128xf32, #tpu.memory_space<vmem>>, vector<1x16xf32>,
        %swap3A_571 = vector.shape_cast %swap3A_570 : vector<1x16xf32> to vector<16xf32>
        %swap3A_572 = vector.shape_cast %get3A_567 : vector<16xf32> to vector<1x16xf32>
        tpu.vector_store %arg8[%swap3A_568, %swap3A_569], %swap3A_572 {add = true, strides = array<i32>} : memref<128x128xf32, #tpu.memory_space<vmem>>, vector<1x16xf32>,
        %get3A_573 = arith.index_cast %scan3A_520 : i32 to index
        %get3A_574 = arith.constant 96 : index
        %get3A_575 = tpu.vector_load %arg5[%get3A_573, %get3A_574] {strides = array<i32>} : memref<128x128xf32, #tpu.memory_space<vmem>>, vector<1x16xf32>,
        %get3A_576 = vector.shape_cast %get3A_575 : vector<1x16xf32> to vector<16xf32>
        %swap3A_577 = arith.index_cast %scan3A_520 : i32 to index
        %swap3A_578 = arith.constant 96 : index
        %swap3A_579 = tpu.vector_load %arg8[%swap3A_577, %swap3A_578] {strides = array<i32>} : memref<128x128xf32, #tpu.memory_space<vmem>>, vector<1x16xf32>,
        %swap3A_580 = vector.shape_cast %swap3A_579 : vector<1x16xf32> to vector<16xf32>
        %swap3A_581 = vector.shape_cast %get3A_576 : vector<16xf32> to vector<1x16xf32>
        tpu.vector_store %arg8[%swap3A_577, %swap3A_578], %swap3A_581 {add = true, strides = array<i32>} : memref<128x128xf32, #tpu.memory_space<vmem>>, vector<1x16xf32>,
        %get3A_582 = arith.index_cast %scan3A_520 : i32 to index
        %get3A_583 = arith.constant 112 : index
        %get3A_584 = tpu.vector_load %arg5[%get3A_582, %get3A_583] {strides = array<i32>} : memref<128x128xf32, #tpu.memory_space<vmem>>, vector<1x16xf32>,
        %get3A_585 = vector.shape_cast %get3A_584 : vector<1x16xf32> to vector<16xf32>
        %swap3A_586 = arith.index_cast %scan3A_520 : i32 to index
        %swap3A_587 = arith.constant 112 : index
        %swap3A_588 = tpu.vector_load %arg8[%swap3A_586, %swap3A_587] {strides = array<i32>} : memref<128x128xf32, #tpu.memory_space<vmem>>, vector<1x16xf32>,
        %swap3A_589 = vector.shape_cast %swap3A_588 : vector<1x16xf32> to vector<16xf32>
        %swap3A_590 = vector.shape_cast %get3A_585 : vector<16xf32> to vector<1x16xf32>
        tpu.vector_store %arg8[%swap3A_586, %swap3A_587], %swap3A_590 {add = true, strides = array<i32>} : memref<128x128xf32, #tpu.memory_space<vmem>>, vector<1x16xf32>,
      }
      %scan3A_319 = arith.constant 128 : i32
      %dma_start3A_320 = arith.constant 0 : i32
      %dma_start3A_321 = arith.constant 0 : i32
      %dma_start3A_322 = tpu.memref_slice %arg4[%add3A_305, %dma_start3A_320, %dma_start3A_321] : memref<4096x128x128xf32, #tpu.memory_space<hbm>> -> memref<1x128x128xf32, #tpu.memory_space<hbm>>
      %dma_start3A_323 = tpu.memref_squeeze %dma_start3A_322 : memref<1x128x128xf32, #tpu.memory_space<hbm>> -> memref<128x128xf32, #tpu.memory_space<hbm>>
      %dma_start3A_324 = arith.constant 0 : i32
      %dma_start3A_325 = arith.constant 0 : i32
      %dma_start3A_326 = tpu.memref_slice %arg4[%add3A_305, %dma_start3A_324, %dma_start3A_325] : memref<4096x128x128xf32, #tpu.memory_space<hbm>> -> memref<1x128x128xf32, #tpu.memory_space<hbm>>
      %dma_start3A_327 = tpu.memref_squeeze %dma_start3A_326 : memref<1x128x128xf32, #tpu.memory_space<hbm>> -> memref<128x128xf32, #tpu.memory_space<hbm>>
      tpu.enqueue_dma source(%arg8 : memref<128x128xf32, #tpu.memory_space<vmem>>) target(%dma_start3A_327 : memref<128x128xf32, #tpu.memory_space<hbm>>) target_semaphore(%arg20 : memref<!tpu.dma_semaphore, #tpu.memory_space<semaphore_mem>>)
      %add3A_328 = arith.constant 4 : i32
      %add3A_329 = arith.addi %add3A_301, %add3A_328 : i32
      %sub3A_330 = arith.constant 6 : i32
      %sub3A_331 = arith.subi %add3A_329, %sub3A_330 : i32
      %add3A_332 = arith.addi %mul3A_32, %sub3A_331 : i32
      %mul3A_333 = arith.constant 4 : i32
      %mul3A_334 = arith.muli %add3A_332, %mul3A_333 : i32
      %add3A_335 = arith.addi %mul3A_334, %select_n3A_30 : i32
      %dma_wait3A_336 = arith.constant 0 : i32
      %dma_wait3A_337 = arith.constant 0 : i32
      %dma_wait3A_338 = tpu.memref_slice %arg4[%add3A_335, %dma_wait3A_336, %dma_wait3A_337] : memref<4096x128x128xf32, #tpu.memory_space<hbm>> -> memref<1x128x128xf32, #tpu.memory_space<hbm>>
      %dma_wait3A_339 = tpu.memref_squeeze %dma_wait3A_338 : memref<1x128x128xf32, #tpu.memory_space<hbm>> -> memref<128x128xf32, #tpu.memory_space<hbm>>
      %dma_wait3A_340 = arith.constant 0 : i32
      %dma_wait3A_341 = arith.constant 0 : i32
      %dma_wait3A_342 = tpu.memref_slice %arg4[%add3A_335, %dma_wait3A_340, %dma_wait3A_341] : memref<4096x128x128xf32, #tpu.memory_space<hbm>> -> memref<1x128x128xf32, #tpu.memory_space<hbm>>
      %dma_wait3A_343 = tpu.memref_squeeze %dma_wait3A_342 : memref<1x128x128xf32, #tpu.memory_space<hbm>> -> memref<128x128xf32, #tpu.memory_space<hbm>>
      tpu.wait_dma2 semaphore(%arg18 : memref<!tpu.dma_semaphore, #tpu.memory_space<semaphore_mem>>) src(%arg6 : memref<128x128xf32, #tpu.memory_space<vmem>>) dst(%dma_wait3A_343 : memref<128x128xf32, #tpu.memory_space<hbm>>)
      %add3A_344 = arith.constant 4 : i32
      %add3A_345 = arith.addi %add3A_301, %add3A_344 : i32
      %add3A_346 = arith.addi %mul3A_32, %add3A_345 : i32
      %mul3A_347 = arith.constant 4 : i32
      %mul3A_348 = arith.muli %add3A_346, %mul3A_347 : i32
      %add3A_349 = arith.addi %mul3A_348, %select_n3A_30 : i32
      %dma_start3A_350 = arith.constant 0 : i32
      %dma_start3A_351 = arith.constant 0 : i32
      %dma_start3A_352 = tpu.memref_slice %arg2[%add3A_349, %dma_start3A_350, %dma_start3A_351] : memref<4096x128x128xf32, #tpu.memory_space<hbm>> -> memref<1x128x128xf32, #tpu.memory_space<hbm>>
      %dma_start3A_353 = tpu.memref_squeeze %dma_start3A_352 : memref<1x128x128xf32, #tpu.memory_space<hbm>> -> memref<128x128xf32, #tpu.memory_space<hbm>>
      %dma_start3A_354 = arith.constant 0 : i32
      %dma_start3A_355 = arith.constant 0 : i32
      %dma_start3A_356 = tpu.memref_slice %arg2[%add3A_349, %dma_start3A_354, %dma_start3A_355] : memref<4096x128x128xf32, #tpu.memory_space<hbm>> -> memref<1x128x128xf32, #tpu.memory_space<hbm>>
      %dma_start3A_357 = tpu.memref_squeeze %dma_start3A_356 : memref<1x128x128xf32, #tpu.memory_space<hbm>> -> memref<128x128xf32, #tpu.memory_space<hbm>>
      tpu.enqueue_dma source(%dma_start3A_357 : memref<128x128xf32, #tpu.memory_space<hbm>>) target(%arg6 : memref<128x128xf32, #tpu.memory_space<vmem>>) target_semaphore(%arg12 : memref<!tpu.dma_semaphore, #tpu.memory_space<semaphore_mem>>)
      %mul3A_358 = arith.constant 6 : i32
      %mul3A_359 = arith.muli %scan3A_194, %mul3A_358 : i32
      %add3A_360 = arith.constant 3 : i32
      %add3A_361 = arith.addi %mul3A_359, %add3A_360 : i32
      %add3A_362 = arith.addi %mul3A_32, %add3A_361 : i32
      %mul3A_363 = arith.constant 4 : i32
      %mul3A_364 = arith.muli %add3A_362, %mul3A_363 : i32
      %add3A_365 = arith.addi %mul3A_364, %select_n3A_30 : i32
      %dma_wait3A_366 = arith.constant 0 : i32
      %dma_wait3A_367 = arith.constant 0 : i32
      %dma_wait3A_368 = tpu.memref_slice %arg2[%add3A_365, %dma_wait3A_366, %dma_wait3A_367] : memref<4096x128x128xf32, #tpu.memory_space<hbm>> -> memref<1x128x128xf32, #tpu.memory_space<hbm>>
      %dma_wait3A_369 = tpu.memref_squeeze %dma_wait3A_368 : memref<1x128x128xf32, #tpu.memory_space<hbm>> -> memref<128x128xf32, #tpu.memory_space<hbm>>
      %dma_wait3A_370 = arith.constant 0 : i32
      %dma_wait3A_371 = arith.constant 0 : i32
      %dma_wait3A_372 = tpu.memref_slice %arg2[%add3A_365, %dma_wait3A_370, %dma_wait3A_371] : memref<4096x128x128xf32, #tpu.memory_space<hbm>> -> memref<1x128x128xf32, #tpu.memory_space<hbm>>
      %dma_wait3A_373 = tpu.memref_squeeze %dma_wait3A_372 : memref<1x128x128xf32, #tpu.memory_space<hbm>> -> memref<128x128xf32, #tpu.memory_space<hbm>>
      tpu.wait_dma2 semaphore(%arg15 : memref<!tpu.dma_semaphore, #tpu.memory_space<semaphore_mem>>) src(%dma_wait3A_373 : memref<128x128xf32, #tpu.memory_space<hbm>>) dst(%arg9 : memref<128x128xf32, #tpu.memory_space<vmem>>)
      %scan3A_374 = arith.constant 0 : i32
      %scan3A_375 = arith.constant 0 : i32
      %scan3A_376 = arith.constant 128 : i32
      %scan3A_377 = arith.addi %scan3A_375, %scan3A_376 : i32
      %scan3A_378 = arith.constant 1 : i32
      scf.for %scan3A_520 = %scan3A_375 to %scan3A_377 step %scan3A_378  : i32 {
        %get3A = arith.index_cast %scan3A_520 : i32 to index
        %get3A_521 = arith.constant 0 : index
        %get3A_522 = tpu.vector_load %arg5[%get3A, %get3A_521] {strides = array<i32>} : memref<128x128xf32, #tpu.memory_space<vmem>>, vector<1x16xf32>,
        %get3A_523 = vector.shape_cast %get3A_522 : vector<1x16xf32> to vector<16xf32>
        %swap3A = arith.index_cast %scan3A_520 : i32 to index
        %swap3A_524 = arith.constant 0 : index
        %swap3A_525 = tpu.vector_load %arg9[%swap3A, %swap3A_524] {strides = array<i32>} : memref<128x128xf32, #tpu.memory_space<vmem>>, vector<1x16xf32>,
        %swap3A_526 = vector.shape_cast %swap3A_525 : vector<1x16xf32> to vector<16xf32>
        %swap3A_527 = vector.shape_cast %get3A_523 : vector<16xf32> to vector<1x16xf32>
        tpu.vector_store %arg9[%swap3A, %swap3A_524], %swap3A_527 {add = true, strides = array<i32>} : memref<128x128xf32, #tpu.memory_space<vmem>>, vector<1x16xf32>,
        %get3A_528 = arith.index_cast %scan3A_520 : i32 to index
        %get3A_529 = arith.constant 16 : index
        %get3A_530 = tpu.vector_load %arg5[%get3A_528, %get3A_529] {strides = array<i32>} : memref<128x128xf32, #tpu.memory_space<vmem>>, vector<1x16xf32>,
        %get3A_531 = vector.shape_cast %get3A_530 : vector<1x16xf32> to vector<16xf32>
        %swap3A_532 = arith.index_cast %scan3A_520 : i32 to index
        %swap3A_533 = arith.constant 16 : index
        %swap3A_534 = tpu.vector_load %arg9[%swap3A_532, %swap3A_533] {strides = array<i32>} : memref<128x128xf32, #tpu.memory_space<vmem>>, vector<1x16xf32>,
        %swap3A_535 = vector.shape_cast %swap3A_534 : vector<1x16xf32> to vector<16xf32>
        %swap3A_536 = vector.shape_cast %get3A_531 : vector<16xf32> to vector<1x16xf32>
        tpu.vector_store %arg9[%swap3A_532, %swap3A_533], %swap3A_536 {add = true, strides = array<i32>} : memref<128x128xf32, #tpu.memory_space<vmem>>, vector<1x16xf32>,
        %get3A_537 = arith.index_cast %scan3A_520 : i32 to index
        %get3A_538 = arith.constant 32 : index
        %get3A_539 = tpu.vector_load %arg5[%get3A_537, %get3A_538] {strides = array<i32>} : memref<128x128xf32, #tpu.memory_space<vmem>>, vector<1x16xf32>,
        %get3A_540 = vector.shape_cast %get3A_539 : vector<1x16xf32> to vector<16xf32>
        %swap3A_541 = arith.index_cast %scan3A_520 : i32 to index
        %swap3A_542 = arith.constant 32 : index
        %swap3A_543 = tpu.vector_load %arg9[%swap3A_541, %swap3A_542] {strides = array<i32>} : memref<128x128xf32, #tpu.memory_space<vmem>>, vector<1x16xf32>,
        %swap3A_544 = vector.shape_cast %swap3A_543 : vector<1x16xf32> to vector<16xf32>
        %swap3A_545 = vector.shape_cast %get3A_540 : vector<16xf32> to vector<1x16xf32>
        tpu.vector_store %arg9[%swap3A_541, %swap3A_542], %swap3A_545 {add = true, strides = array<i32>} : memref<128x128xf32, #tpu.memory_space<vmem>>, vector<1x16xf32>,
        %get3A_546 = arith.index_cast %scan3A_520 : i32 to index
        %get3A_547 = arith.constant 48 : index
        %get3A_548 = tpu.vector_load %arg5[%get3A_546, %get3A_547] {strides = array<i32>} : memref<128x128xf32, #tpu.memory_space<vmem>>, vector<1x16xf32>,
        %get3A_549 = vector.shape_cast %get3A_548 : vector<1x16xf32> to vector<16xf32>
        %swap3A_550 = arith.index_cast %scan3A_520 : i32 to index
        %swap3A_551 = arith.constant 48 : index
        %swap3A_552 = tpu.vector_load %arg9[%swap3A_550, %swap3A_551] {strides = array<i32>} : memref<128x128xf32, #tpu.memory_space<vmem>>, vector<1x16xf32>,
        %swap3A_553 = vector.shape_cast %swap3A_552 : vector<1x16xf32> to vector<16xf32>
        %swap3A_554 = vector.shape_cast %get3A_549 : vector<16xf32> to vector<1x16xf32>
        tpu.vector_store %arg9[%swap3A_550, %swap3A_551], %swap3A_554 {add = true, strides = array<i32>} : memref<128x128xf32, #tpu.memory_space<vmem>>, vector<1x16xf32>,
        %get3A_555 = arith.index_cast %scan3A_520 : i32 to index
        %get3A_556 = arith.constant 64 : index
        %get3A_557 = tpu.vector_load %arg5[%get3A_555, %get3A_556] {strides = array<i32>} : memref<128x128xf32, #tpu.memory_space<vmem>>, vector<1x16xf32>,
        %get3A_558 = vector.shape_cast %get3A_557 : vector<1x16xf32> to vector<16xf32>
        %swap3A_559 = arith.index_cast %scan3A_520 : i32 to index
        %swap3A_560 = arith.constant 64 : index
        %swap3A_561 = tpu.vector_load %arg9[%swap3A_559, %swap3A_560] {strides = array<i32>} : memref<128x128xf32, #tpu.memory_space<vmem>>, vector<1x16xf32>,
        %swap3A_562 = vector.shape_cast %swap3A_561 : vector<1x16xf32> to vector<16xf32>
        %swap3A_563 = vector.shape_cast %get3A_558 : vector<16xf32> to vector<1x16xf32>
        tpu.vector_store %arg9[%swap3A_559, %swap3A_560], %swap3A_563 {add = true, strides = array<i32>} : memref<128x128xf32, #tpu.memory_space<vmem>>, vector<1x16xf32>,
        %get3A_564 = arith.index_cast %scan3A_520 : i32 to index
        %get3A_565 = arith.constant 80 : index
        %get3A_566 = tpu.vector_load %arg5[%get3A_564, %get3A_565] {strides = array<i32>} : memref<128x128xf32, #tpu.memory_space<vmem>>, vector<1x16xf32>,
        %get3A_567 = vector.shape_cast %get3A_566 : vector<1x16xf32> to vector<16xf32>
        %swap3A_568 = arith.index_cast %scan3A_520 : i32 to index
        %swap3A_569 = arith.constant 80 : index
        %swap3A_570 = tpu.vector_load %arg9[%swap3A_568, %swap3A_569] {strides = array<i32>} : memref<128x128xf32, #tpu.memory_space<vmem>>, vector<1x16xf32>,
        %swap3A_571 = vector.shape_cast %swap3A_570 : vector<1x16xf32> to vector<16xf32>
        %swap3A_572 = vector.shape_cast %get3A_567 : vector<16xf32> to vector<1x16xf32>
        tpu.vector_store %arg9[%swap3A_568, %swap3A_569], %swap3A_572 {add = true, strides = array<i32>} : memref<128x128xf32, #tpu.memory_space<vmem>>, vector<1x16xf32>,
        %get3A_573 = arith.index_cast %scan3A_520 : i32 to index
        %get3A_574 = arith.constant 96 : index
        %get3A_575 = tpu.vector_load %arg5[%get3A_573, %get3A_574] {strides = array<i32>} : memref<128x128xf32, #tpu.memory_space<vmem>>, vector<1x16xf32>,
        %get3A_576 = vector.shape_cast %get3A_575 : vector<1x16xf32> to vector<16xf32>
        %swap3A_577 = arith.index_cast %scan3A_520 : i32 to index
        %swap3A_578 = arith.constant 96 : index
        %swap3A_579 = tpu.vector_load %arg9[%swap3A_577, %swap3A_578] {strides = array<i32>} : memref<128x128xf32, #tpu.memory_space<vmem>>, vector<1x16xf32>,
        %swap3A_580 = vector.shape_cast %swap3A_579 : vector<1x16xf32> to vector<16xf32>
        %swap3A_581 = vector.shape_cast %get3A_576 : vector<16xf32> to vector<1x16xf32>
        tpu.vector_store %arg9[%swap3A_577, %swap3A_578], %swap3A_581 {add = true, strides = array<i32>} : memref<128x128xf32, #tpu.memory_space<vmem>>, vector<1x16xf32>,
        %get3A_582 = arith.index_cast %scan3A_520 : i32 to index
        %get3A_583 = arith.constant 112 : index
        %get3A_584 = tpu.vector_load %arg5[%get3A_582, %get3A_583] {strides = array<i32>} : memref<128x128xf32, #tpu.memory_space<vmem>>, vector<1x16xf32>,
        %get3A_585 = vector.shape_cast %get3A_584 : vector<1x16xf32> to vector<16xf32>
        %swap3A_586 = arith.index_cast %scan3A_520 : i32 to index
        %swap3A_587 = arith.constant 112 : index
        %swap3A_588 = tpu.vector_load %arg9[%swap3A_586, %swap3A_587] {strides = array<i32>} : memref<128x128xf32, #tpu.memory_space<vmem>>, vector<1x16xf32>,
        %swap3A_589 = vector.shape_cast %swap3A_588 : vector<1x16xf32> to vector<16xf32>
        %swap3A_590 = vector.shape_cast %get3A_585 : vector<16xf32> to vector<1x16xf32>
        tpu.vector_store %arg9[%swap3A_586, %swap3A_587], %swap3A_590 {add = true, strides = array<i32>} : memref<128x128xf32, #tpu.memory_space<vmem>>, vector<1x16xf32>,
      }
      %scan3A_379 = arith.constant 128 : i32
      %dma_start3A_380 = arith.constant 0 : i32
      %dma_start3A_381 = arith.constant 0 : i32
      %dma_start3A_382 = tpu.memref_slice %arg4[%add3A_365, %dma_start3A_380, %dma_start3A_381] : memref<4096x128x128xf32, #tpu.memory_space<hbm>> -> memref<1x128x128xf32, #tpu.memory_space<hbm>>
      %dma_start3A_383 = tpu.memref_squeeze %dma_start3A_382 : memref<1x128x128xf32, #tpu.memory_space<hbm>> -> memref<128x128xf32, #tpu.memory_space<hbm>>
      %dma_start3A_384 = arith.constant 0 : i32
      %dma_start3A_385 = arith.constant 0 : i32
      %dma_start3A_386 = tpu.memref_slice %arg4[%add3A_365, %dma_start3A_384, %dma_start3A_385] : memref<4096x128x128xf32, #tpu.memory_space<hbm>> -> memref<1x128x128xf32, #tpu.memory_space<hbm>>
      %dma_start3A_387 = tpu.memref_squeeze %dma_start3A_386 : memref<1x128x128xf32, #tpu.memory_space<hbm>> -> memref<128x128xf32, #tpu.memory_space<hbm>>
      tpu.enqueue_dma source(%arg9 : memref<128x128xf32, #tpu.memory_space<vmem>>) target(%dma_start3A_387 : memref<128x128xf32, #tpu.memory_space<hbm>>) target_semaphore(%arg21 : memref<!tpu.dma_semaphore, #tpu.memory_space<semaphore_mem>>)
      %add3A_388 = arith.constant 4 : i32
      %add3A_389 = arith.addi %add3A_361, %add3A_388 : i32
      %sub3A_390 = arith.constant 6 : i32
      %sub3A_391 = arith.subi %add3A_389, %sub3A_390 : i32
      %add3A_392 = arith.addi %mul3A_32, %sub3A_391 : i32
      %mul3A_393 = arith.constant 4 : i32
      %mul3A_394 = arith.muli %add3A_392, %mul3A_393 : i32
      %add3A_395 = arith.addi %mul3A_394, %select_n3A_30 : i32
      %dma_wait3A_396 = arith.constant 0 : i32
      %dma_wait3A_397 = arith.constant 0 : i32
      %dma_wait3A_398 = tpu.memref_slice %arg4[%add3A_395, %dma_wait3A_396, %dma_wait3A_397] : memref<4096x128x128xf32, #tpu.memory_space<hbm>> -> memref<1x128x128xf32, #tpu.memory_space<hbm>>
      %dma_wait3A_399 = tpu.memref_squeeze %dma_wait3A_398 : memref<1x128x128xf32, #tpu.memory_space<hbm>> -> memref<128x128xf32, #tpu.memory_space<hbm>>
      %dma_wait3A_400 = arith.constant 0 : i32
      %dma_wait3A_401 = arith.constant 0 : i32
      %dma_wait3A_402 = tpu.memref_slice %arg4[%add3A_395, %dma_wait3A_400, %dma_wait3A_401] : memref<4096x128x128xf32, #tpu.memory_space<hbm>> -> memref<1x128x128xf32, #tpu.memory_space<hbm>>
      %dma_wait3A_403 = tpu.memref_squeeze %dma_wait3A_402 : memref<1x128x128xf32, #tpu.memory_space<hbm>> -> memref<128x128xf32, #tpu.memory_space<hbm>>
      tpu.wait_dma2 semaphore(%arg19 : memref<!tpu.dma_semaphore, #tpu.memory_space<semaphore_mem>>) src(%arg7 : memref<128x128xf32, #tpu.memory_space<vmem>>) dst(%dma_wait3A_403 : memref<128x128xf32, #tpu.memory_space<hbm>>)
      %add3A_404 = arith.constant 4 : i32
      %add3A_405 = arith.addi %add3A_361, %add3A_404 : i32
      %add3A_406 = arith.addi %mul3A_32, %add3A_405 : i32
      %mul3A_407 = arith.constant 4 : i32
      %mul3A_408 = arith.muli %add3A_406, %mul3A_407 : i32
      %add3A_409 = arith.addi %mul3A_408, %select_n3A_30 : i32
      %dma_start3A_410 = arith.constant 0 : i32
      %dma_start3A_411 = arith.constant 0 : i32
      %dma_start3A_412 = tpu.memref_slice %arg2[%add3A_409, %dma_start3A_410, %dma_start3A_411] : memref<4096x128x128xf32, #tpu.memory_space<hbm>> -> memref<1x128x128xf32, #tpu.memory_space<hbm>>
      %dma_start3A_413 = tpu.memref_squeeze %dma_start3A_412 : memref<1x128x128xf32, #tpu.memory_space<hbm>> -> memref<128x128xf32, #tpu.memory_space<hbm>>
      %dma_start3A_414 = arith.constant 0 : i32
      %dma_start3A_415 = arith.constant 0 : i32
      %dma_start3A_416 = tpu.memref_slice %arg2[%add3A_409, %dma_start3A_414, %dma_start3A_415] : memref<4096x128x128xf32, #tpu.memory_space<hbm>> -> memref<1x128x128xf32, #tpu.memory_space<hbm>>
      %dma_start3A_417 = tpu.memref_squeeze %dma_start3A_416 : memref<1x128x128xf32, #tpu.memory_space<hbm>> -> memref<128x128xf32, #tpu.memory_space<hbm>>
      tpu.enqueue_dma source(%dma_start3A_417 : memref<128x128xf32, #tpu.memory_space<hbm>>) target(%arg7 : memref<128x128xf32, #tpu.memory_space<vmem>>) target_semaphore(%arg13 : memref<!tpu.dma_semaphore, #tpu.memory_space<semaphore_mem>>)
      %mul3A_418 = arith.constant 6 : i32
      %mul3A_419 = arith.muli %scan3A_194, %mul3A_418 : i32
      %add3A_420 = arith.constant 4 : i32
      %add3A_421 = arith.addi %mul3A_419, %add3A_420 : i32
      %lt3A_422 = arith.constant 20 : i32
      %lt3A_423 = arith.cmpi slt, %scan3A_194, %lt3A_422 : i32
      %add3A_424 = arith.addi %mul3A_32, %add3A_421 : i32
      %mul3A_425 = arith.constant 4 : i32
      %mul3A_426 = arith.muli %add3A_424, %mul3A_425 : i32
      %add3A_427 = arith.addi %mul3A_426, %select_n3A_30 : i32
      %dma_wait3A_428 = arith.constant 0 : i32
      %dma_wait3A_429 = arith.constant 0 : i32
      %dma_wait3A_430 = tpu.memref_slice %arg2[%add3A_427, %dma_wait3A_428, %dma_wait3A_429] : memref<4096x128x128xf32, #tpu.memory_space<hbm>> -> memref<1x128x128xf32, #tpu.memory_space<hbm>>
      %dma_wait3A_431 = tpu.memref_squeeze %dma_wait3A_430 : memref<1x128x128xf32, #tpu.memory_space<hbm>> -> memref<128x128xf32, #tpu.memory_space<hbm>>
      %dma_wait3A_432 = arith.constant 0 : i32
      %dma_wait3A_433 = arith.constant 0 : i32
      %dma_wait3A_434 = tpu.memref_slice %arg2[%add3A_427, %dma_wait3A_432, %dma_wait3A_433] : memref<4096x128x128xf32, #tpu.memory_space<hbm>> -> memref<1x128x128xf32, #tpu.memory_space<hbm>>
      %dma_wait3A_435 = tpu.memref_squeeze %dma_wait3A_434 : memref<1x128x128xf32, #tpu.memory_space<hbm>> -> memref<128x128xf32, #tpu.memory_space<hbm>>
      tpu.wait_dma2 semaphore(%arg16 : memref<!tpu.dma_semaphore, #tpu.memory_space<semaphore_mem>>) src(%dma_wait3A_435 : memref<128x128xf32, #tpu.memory_space<hbm>>) dst(%arg10 : memref<128x128xf32, #tpu.memory_space<vmem>>)
      %scan3A_436 = arith.constant 0 : i32
      %scan3A_437 = arith.constant 0 : i32
      %scan3A_438 = arith.constant 128 : i32
      %scan3A_439 = arith.addi %scan3A_437, %scan3A_438 : i32
      %scan3A_440 = arith.constant 1 : i32
      scf.for %scan3A_520 = %scan3A_437 to %scan3A_439 step %scan3A_440  : i32 {
        %get3A = arith.index_cast %scan3A_520 : i32 to index
        %get3A_521 = arith.constant 0 : index
        %get3A_522 = tpu.vector_load %arg5[%get3A, %get3A_521] {strides = array<i32>} : memref<128x128xf32, #tpu.memory_space<vmem>>, vector<1x16xf32>,
        %get3A_523 = vector.shape_cast %get3A_522 : vector<1x16xf32> to vector<16xf32>
        %swap3A = arith.index_cast %scan3A_520 : i32 to index
        %swap3A_524 = arith.constant 0 : index
        %swap3A_525 = tpu.vector_load %arg10[%swap3A, %swap3A_524] {strides = array<i32>} : memref<128x128xf32, #tpu.memory_space<vmem>>, vector<1x16xf32>,
        %swap3A_526 = vector.shape_cast %swap3A_525 : vector<1x16xf32> to vector<16xf32>
        %swap3A_527 = vector.shape_cast %get3A_523 : vector<16xf32> to vector<1x16xf32>
        tpu.vector_store %arg10[%swap3A, %swap3A_524], %swap3A_527 {add = true, strides = array<i32>} : memref<128x128xf32, #tpu.memory_space<vmem>>, vector<1x16xf32>,
        %get3A_528 = arith.index_cast %scan3A_520 : i32 to index
        %get3A_529 = arith.constant 16 : index
        %get3A_530 = tpu.vector_load %arg5[%get3A_528, %get3A_529] {strides = array<i32>} : memref<128x128xf32, #tpu.memory_space<vmem>>, vector<1x16xf32>,
        %get3A_531 = vector.shape_cast %get3A_530 : vector<1x16xf32> to vector<16xf32>
        %swap3A_532 = arith.index_cast %scan3A_520 : i32 to index
        %swap3A_533 = arith.constant 16 : index
        %swap3A_534 = tpu.vector_load %arg10[%swap3A_532, %swap3A_533] {strides = array<i32>} : memref<128x128xf32, #tpu.memory_space<vmem>>, vector<1x16xf32>,
        %swap3A_535 = vector.shape_cast %swap3A_534 : vector<1x16xf32> to vector<16xf32>
        %swap3A_536 = vector.shape_cast %get3A_531 : vector<16xf32> to vector<1x16xf32>
        tpu.vector_store %arg10[%swap3A_532, %swap3A_533], %swap3A_536 {add = true, strides = array<i32>} : memref<128x128xf32, #tpu.memory_space<vmem>>, vector<1x16xf32>,
        %get3A_537 = arith.index_cast %scan3A_520 : i32 to index
        %get3A_538 = arith.constant 32 : index
        %get3A_539 = tpu.vector_load %arg5[%get3A_537, %get3A_538] {strides = array<i32>} : memref<128x128xf32, #tpu.memory_space<vmem>>, vector<1x16xf32>,
        %get3A_540 = vector.shape_cast %get3A_539 : vector<1x16xf32> to vector<16xf32>
        %swap3A_541 = arith.index_cast %scan3A_520 : i32 to index
        %swap3A_542 = arith.constant 32 : index
        %swap3A_543 = tpu.vector_load %arg10[%swap3A_541, %swap3A_542] {strides = array<i32>} : memref<128x128xf32, #tpu.memory_space<vmem>>, vector<1x16xf32>,
        %swap3A_544 = vector.shape_cast %swap3A_543 : vector<1x16xf32> to vector<16xf32>
        %swap3A_545 = vector.shape_cast %get3A_540 : vector<16xf32> to vector<1x16xf32>
        tpu.vector_store %arg10[%swap3A_541, %swap3A_542], %swap3A_545 {add = true, strides = array<i32>} : memref<128x128xf32, #tpu.memory_space<vmem>>, vector<1x16xf32>,
        %get3A_546 = arith.index_cast %scan3A_520 : i32 to index
        %get3A_547 = arith.constant 48 : index
        %get3A_548 = tpu.vector_load %arg5[%get3A_546, %get3A_547] {strides = array<i32>} : memref<128x128xf32, #tpu.memory_space<vmem>>, vector<1x16xf32>,
        %get3A_549 = vector.shape_cast %get3A_548 : vector<1x16xf32> to vector<16xf32>
        %swap3A_550 = arith.index_cast %scan3A_520 : i32 to index
        %swap3A_551 = arith.constant 48 : index
        %swap3A_552 = tpu.vector_load %arg10[%swap3A_550, %swap3A_551] {strides = array<i32>} : memref<128x128xf32, #tpu.memory_space<vmem>>, vector<1x16xf32>,
        %swap3A_553 = vector.shape_cast %swap3A_552 : vector<1x16xf32> to vector<16xf32>
        %swap3A_554 = vector.shape_cast %get3A_549 : vector<16xf32> to vector<1x16xf32>
        tpu.vector_store %arg10[%swap3A_550, %swap3A_551], %swap3A_554 {add = true, strides = array<i32>} : memref<128x128xf32, #tpu.memory_space<vmem>>, vector<1x16xf32>,
        %get3A_555 = arith.index_cast %scan3A_520 : i32 to index
        %get3A_556 = arith.constant 64 : index
        %get3A_557 = tpu.vector_load %arg5[%get3A_555, %get3A_556] {strides = array<i32>} : memref<128x128xf32, #tpu.memory_space<vmem>>, vector<1x16xf32>,
        %get3A_558 = vector.shape_cast %get3A_557 : vector<1x16xf32> to vector<16xf32>
        %swap3A_559 = arith.index_cast %scan3A_520 : i32 to index
        %swap3A_560 = arith.constant 64 : index
        %swap3A_561 = tpu.vector_load %arg10[%swap3A_559, %swap3A_560] {strides = array<i32>} : memref<128x128xf32, #tpu.memory_space<vmem>>, vector<1x16xf32>,
        %swap3A_562 = vector.shape_cast %swap3A_561 : vector<1x16xf32> to vector<16xf32>
        %swap3A_563 = vector.shape_cast %get3A_558 : vector<16xf32> to vector<1x16xf32>
        tpu.vector_store %arg10[%swap3A_559, %swap3A_560], %swap3A_563 {add = true, strides = array<i32>} : memref<128x128xf32, #tpu.memory_space<vmem>>, vector<1x16xf32>,
        %get3A_564 = arith.index_cast %scan3A_520 : i32 to index
        %get3A_565 = arith.constant 80 : index
        %get3A_566 = tpu.vector_load %arg5[%get3A_564, %get3A_565] {strides = array<i32>} : memref<128x128xf32, #tpu.memory_space<vmem>>, vector<1x16xf32>,
        %get3A_567 = vector.shape_cast %get3A_566 : vector<1x16xf32> to vector<16xf32>
        %swap3A_568 = arith.index_cast %scan3A_520 : i32 to index
        %swap3A_569 = arith.constant 80 : index
        %swap3A_570 = tpu.vector_load %arg10[%swap3A_568, %swap3A_569] {strides = array<i32>} : memref<128x128xf32, #tpu.memory_space<vmem>>, vector<1x16xf32>,
        %swap3A_571 = vector.shape_cast %swap3A_570 : vector<1x16xf32> to vector<16xf32>
        %swap3A_572 = vector.shape_cast %get3A_567 : vector<16xf32> to vector<1x16xf32>
        tpu.vector_store %arg10[%swap3A_568, %swap3A_569], %swap3A_572 {add = true, strides = array<i32>} : memref<128x128xf32, #tpu.memory_space<vmem>>, vector<1x16xf32>,
        %get3A_573 = arith.index_cast %scan3A_520 : i32 to index
        %get3A_574 = arith.constant 96 : index
        %get3A_575 = tpu.vector_load %arg5[%get3A_573, %get3A_574] {strides = array<i32>} : memref<128x128xf32, #tpu.memory_space<vmem>>, vector<1x16xf32>,
        %get3A_576 = vector.shape_cast %get3A_575 : vector<1x16xf32> to vector<16xf32>
        %swap3A_577 = arith.index_cast %scan3A_520 : i32 to index
        %swap3A_578 = arith.constant 96 : index
        %swap3A_579 = tpu.vector_load %arg10[%swap3A_577, %swap3A_578] {strides = array<i32>} : memref<128x128xf32, #tpu.memory_space<vmem>>, vector<1x16xf32>,
        %swap3A_580 = vector.shape_cast %swap3A_579 : vector<1x16xf32> to vector<16xf32>
        %swap3A_581 = vector.shape_cast %get3A_576 : vector<16xf32> to vector<1x16xf32>
        tpu.vector_store %arg10[%swap3A_577, %swap3A_578], %swap3A_581 {add = true, strides = array<i32>} : memref<128x128xf32, #tpu.memory_space<vmem>>, vector<1x16xf32>,
        %get3A_582 = arith.index_cast %scan3A_520 : i32 to index
        %get3A_583 = arith.constant 112 : index
        %get3A_584 = tpu.vector_load %arg5[%get3A_582, %get3A_583] {strides = array<i32>} : memref<128x128xf32, #tpu.memory_space<vmem>>, vector<1x16xf32>,
        %get3A_585 = vector.shape_cast %get3A_584 : vector<1x16xf32> to vector<16xf32>
        %swap3A_586 = arith.index_cast %scan3A_520 : i32 to index
        %swap3A_587 = arith.constant 112 : index
        %swap3A_588 = tpu.vector_load %arg10[%swap3A_586, %swap3A_587] {strides = array<i32>} : memref<128x128xf32, #tpu.memory_space<vmem>>, vector<1x16xf32>,
        %swap3A_589 = vector.shape_cast %swap3A_588 : vector<1x16xf32> to vector<16xf32>
        %swap3A_590 = vector.shape_cast %get3A_585 : vector<16xf32> to vector<1x16xf32>
        tpu.vector_store %arg10[%swap3A_586, %swap3A_587], %swap3A_590 {add = true, strides = array<i32>} : memref<128x128xf32, #tpu.memory_space<vmem>>, vector<1x16xf32>,
      }
      %scan3A_441 = arith.constant 128 : i32
      %dma_start3A_442 = arith.constant 0 : i32
      %dma_start3A_443 = arith.constant 0 : i32
      %dma_start3A_444 = tpu.memref_slice %arg4[%add3A_427, %dma_start3A_442, %dma_start3A_443] : memref<4096x128x128xf32, #tpu.memory_space<hbm>> -> memref<1x128x128xf32, #tpu.memory_space<hbm>>
      %dma_start3A_445 = tpu.memref_squeeze %dma_start3A_444 : memref<1x128x128xf32, #tpu.memory_space<hbm>> -> memref<128x128xf32, #tpu.memory_space<hbm>>
      %dma_start3A_446 = arith.constant 0 : i32
      %dma_start3A_447 = arith.constant 0 : i32
      %dma_start3A_448 = tpu.memref_slice %arg4[%add3A_427, %dma_start3A_446, %dma_start3A_447] : memref<4096x128x128xf32, #tpu.memory_space<hbm>> -> memref<1x128x128xf32, #tpu.memory_space<hbm>>
      %dma_start3A_449 = tpu.memref_squeeze %dma_start3A_448 : memref<1x128x128xf32, #tpu.memory_space<hbm>> -> memref<128x128xf32, #tpu.memory_space<hbm>>
      tpu.enqueue_dma source(%arg10 : memref<128x128xf32, #tpu.memory_space<vmem>>) target(%dma_start3A_449 : memref<128x128xf32, #tpu.memory_space<hbm>>) target_semaphore(%arg22 : memref<!tpu.dma_semaphore, #tpu.memory_space<semaphore_mem>>)
      %add3A_450 = arith.constant 4 : i32
      %add3A_451 = arith.addi %add3A_421, %add3A_450 : i32
      %sub3A_452 = arith.constant 6 : i32
      %sub3A_453 = arith.subi %add3A_451, %sub3A_452 : i32
      %add3A_454 = arith.addi %mul3A_32, %sub3A_453 : i32
      %mul3A_455 = arith.constant 4 : i32
      %mul3A_456 = arith.muli %add3A_454, %mul3A_455 : i32
      %add3A_457 = arith.addi %mul3A_456, %select_n3A_30 : i32
      %dma_wait3A_458 = arith.constant 0 : i32
      %dma_wait3A_459 = arith.constant 0 : i32
      %dma_wait3A_460 = tpu.memref_slice %arg4[%add3A_457, %dma_wait3A_458, %dma_wait3A_459] : memref<4096x128x128xf32, #tpu.memory_space<hbm>> -> memref<1x128x128xf32, #tpu.memory_space<hbm>>
      %dma_wait3A_461 = tpu.memref_squeeze %dma_wait3A_460 : memref<1x128x128xf32, #tpu.memory_space<hbm>> -> memref<128x128xf32, #tpu.memory_space<hbm>>
      %dma_wait3A_462 = arith.constant 0 : i32
      %dma_wait3A_463 = arith.constant 0 : i32
      %dma_wait3A_464 = tpu.memref_slice %arg4[%add3A_457, %dma_wait3A_462, %dma_wait3A_463] : memref<4096x128x128xf32, #tpu.memory_space<hbm>> -> memref<1x128x128xf32, #tpu.memory_space<hbm>>
      %dma_wait3A_465 = tpu.memref_squeeze %dma_wait3A_464 : memref<1x128x128xf32, #tpu.memory_space<hbm>> -> memref<128x128xf32, #tpu.memory_space<hbm>>
      tpu.wait_dma2 semaphore(%arg20 : memref<!tpu.dma_semaphore, #tpu.memory_space<semaphore_mem>>) src(%arg8 : memref<128x128xf32, #tpu.memory_space<vmem>>) dst(%dma_wait3A_465 : memref<128x128xf32, #tpu.memory_space<hbm>>)
      %convert_element_type3A_466 = arith.extui %lt3A_423 : i1 to i32
      %cond3A_467 = arith.constant 0 : i32
      %cond3A_468 = arith.cmpi ne, %convert_element_type3A_466, %cond3A_467 : i32
      scf.if %cond3A_468 {
        %add3A_520 = arith.constant 4 : i32
        %add3A_521 = arith.addi %add3A_421, %add3A_520 : i32
        %add3A_522 = arith.addi %mul3A_32, %add3A_521 : i32
        %mul3A_523 = arith.constant 4 : i32
        %mul3A_524 = arith.muli %add3A_522, %mul3A_523 : i32
        %add3A_525 = arith.addi %mul3A_524, %select_n3A_30 : i32
        %dma_start3A_526 = arith.constant 0 : i32
        %dma_start3A_527 = arith.constant 0 : i32
        %dma_start3A_528 = tpu.memref_slice %arg2[%add3A_525, %dma_start3A_526, %dma_start3A_527] : memref<4096x128x128xf32, #tpu.memory_space<hbm>> -> memref<1x128x128xf32, #tpu.memory_space<hbm>>
        %dma_start3A_529 = tpu.memref_squeeze %dma_start3A_528 : memref<1x128x128xf32, #tpu.memory_space<hbm>> -> memref<128x128xf32, #tpu.memory_space<hbm>>
        %dma_start3A_530 = arith.constant 0 : i32
        %dma_start3A_531 = arith.constant 0 : i32
        %dma_start3A_532 = tpu.memref_slice %arg2[%add3A_525, %dma_start3A_530, %dma_start3A_531] : memref<4096x128x128xf32, #tpu.memory_space<hbm>> -> memref<1x128x128xf32, #tpu.memory_space<hbm>>
        %dma_start3A_533 = tpu.memref_squeeze %dma_start3A_532 : memref<1x128x128xf32, #tpu.memory_space<hbm>> -> memref<128x128xf32, #tpu.memory_space<hbm>>
        tpu.enqueue_dma source(%dma_start3A_533 : memref<128x128xf32, #tpu.memory_space<hbm>>) target(%arg8 : memref<128x128xf32, #tpu.memory_space<vmem>>) target_semaphore(%arg14 : memref<!tpu.dma_semaphore, #tpu.memory_space<semaphore_mem>>)
      } else {
      }
      %mul3A_469 = arith.constant 6 : i32
      %mul3A_470 = arith.muli %scan3A_194, %mul3A_469 : i32
      %add3A_471 = arith.constant 5 : i32
      %add3A_472 = arith.addi %mul3A_470, %add3A_471 : i32
      %lt3A_473 = arith.constant 20 : i32
      %lt3A_474 = arith.cmpi slt, %scan3A_194, %lt3A_473 : i32
      %add3A_475 = arith.addi %mul3A_32, %add3A_472 : i32
      %mul3A_476 = arith.constant 4 : i32
      %mul3A_477 = arith.muli %add3A_475, %mul3A_476 : i32
      %add3A_478 = arith.addi %mul3A_477, %select_n3A_30 : i32
      %dma_wait3A_479 = arith.constant 0 : i32
      %dma_wait3A_480 = arith.constant 0 : i32
      %dma_wait3A_481 = tpu.memref_slice %arg2[%add3A_478, %dma_wait3A_479, %dma_wait3A_480] : memref<4096x128x128xf32, #tpu.memory_space<hbm>> -> memref<1x128x128xf32, #tpu.memory_space<hbm>>
      %dma_wait3A_482 = tpu.memref_squeeze %dma_wait3A_481 : memref<1x128x128xf32, #tpu.memory_space<hbm>> -> memref<128x128xf32, #tpu.memory_space<hbm>>
      %dma_wait3A_483 = arith.constant 0 : i32
      %dma_wait3A_484 = arith.constant 0 : i32
      %dma_wait3A_485 = tpu.memref_slice %arg2[%add3A_478, %dma_wait3A_483, %dma_wait3A_484] : memref<4096x128x128xf32, #tpu.memory_space<hbm>> -> memref<1x128x128xf32, #tpu.memory_space<hbm>>
      %dma_wait3A_486 = tpu.memref_squeeze %dma_wait3A_485 : memref<1x128x128xf32, #tpu.memory_space<hbm>> -> memref<128x128xf32, #tpu.memory_space<hbm>>
      tpu.wait_dma2 semaphore(%arg17 : memref<!tpu.dma_semaphore, #tpu.memory_space<semaphore_mem>>) src(%dma_wait3A_486 : memref<128x128xf32, #tpu.memory_space<hbm>>) dst(%arg11 : memref<128x128xf32, #tpu.memory_space<vmem>>)
      %scan3A_487 = arith.constant 0 : i32
      %scan3A_488 = arith.constant 0 : i32
      %scan3A_489 = arith.constant 128 : i32
      %scan3A_490 = arith.addi %scan3A_488, %scan3A_489 : i32
      %scan3A_491 = arith.constant 1 : i32
      scf.for %scan3A_520 = %scan3A_488 to %scan3A_490 step %scan3A_491  : i32 {
        %get3A = arith.index_cast %scan3A_520 : i32 to index
        %get3A_521 = arith.constant 0 : index
        %get3A_522 = tpu.vector_load %arg5[%get3A, %get3A_521] {strides = array<i32>} : memref<128x128xf32, #tpu.memory_space<vmem>>, vector<1x16xf32>,
        %get3A_523 = vector.shape_cast %get3A_522 : vector<1x16xf32> to vector<16xf32>
        %swap3A = arith.index_cast %scan3A_520 : i32 to index
        %swap3A_524 = arith.constant 0 : index
        %swap3A_525 = tpu.vector_load %arg11[%swap3A, %swap3A_524] {strides = array<i32>} : memref<128x128xf32, #tpu.memory_space<vmem>>, vector<1x16xf32>,
        %swap3A_526 = vector.shape_cast %swap3A_525 : vector<1x16xf32> to vector<16xf32>
        %swap3A_527 = vector.shape_cast %get3A_523 : vector<16xf32> to vector<1x16xf32>
        tpu.vector_store %arg11[%swap3A, %swap3A_524], %swap3A_527 {add = true, strides = array<i32>} : memref<128x128xf32, #tpu.memory_space<vmem>>, vector<1x16xf32>,
        %get3A_528 = arith.index_cast %scan3A_520 : i32 to index
        %get3A_529 = arith.constant 16 : index
        %get3A_530 = tpu.vector_load %arg5[%get3A_528, %get3A_529] {strides = array<i32>} : memref<128x128xf32, #tpu.memory_space<vmem>>, vector<1x16xf32>,
        %get3A_531 = vector.shape_cast %get3A_530 : vector<1x16xf32> to vector<16xf32>
        %swap3A_532 = arith.index_cast %scan3A_520 : i32 to index
        %swap3A_533 = arith.constant 16 : index
        %swap3A_534 = tpu.vector_load %arg11[%swap3A_532, %swap3A_533] {strides = array<i32>} : memref<128x128xf32, #tpu.memory_space<vmem>>, vector<1x16xf32>,
        %swap3A_535 = vector.shape_cast %swap3A_534 : vector<1x16xf32> to vector<16xf32>
        %swap3A_536 = vector.shape_cast %get3A_531 : vector<16xf32> to vector<1x16xf32>
        tpu.vector_store %arg11[%swap3A_532, %swap3A_533], %swap3A_536 {add = true, strides = array<i32>} : memref<128x128xf32, #tpu.memory_space<vmem>>, vector<1x16xf32>,
        %get3A_537 = arith.index_cast %scan3A_520 : i32 to index
        %get3A_538 = arith.constant 32 : index
        %get3A_539 = tpu.vector_load %arg5[%get3A_537, %get3A_538] {strides = array<i32>} : memref<128x128xf32, #tpu.memory_space<vmem>>, vector<1x16xf32>,
        %get3A_540 = vector.shape_cast %get3A_539 : vector<1x16xf32> to vector<16xf32>
        %swap3A_541 = arith.index_cast %scan3A_520 : i32 to index
        %swap3A_542 = arith.constant 32 : index
        %swap3A_543 = tpu.vector_load %arg11[%swap3A_541, %swap3A_542] {strides = array<i32>} : memref<128x128xf32, #tpu.memory_space<vmem>>, vector<1x16xf32>,
        %swap3A_544 = vector.shape_cast %swap3A_543 : vector<1x16xf32> to vector<16xf32>
        %swap3A_545 = vector.shape_cast %get3A_540 : vector<16xf32> to vector<1x16xf32>
        tpu.vector_store %arg11[%swap3A_541, %swap3A_542], %swap3A_545 {add = true, strides = array<i32>} : memref<128x128xf32, #tpu.memory_space<vmem>>, vector<1x16xf32>,
        %get3A_546 = arith.index_cast %scan3A_520 : i32 to index
        %get3A_547 = arith.constant 48 : index
        %get3A_548 = tpu.vector_load %arg5[%get3A_546, %get3A_547] {strides = array<i32>} : memref<128x128xf32, #tpu.memory_space<vmem>>, vector<1x16xf32>,
        %get3A_549 = vector.shape_cast %get3A_548 : vector<1x16xf32> to vector<16xf32>
        %swap3A_550 = arith.index_cast %scan3A_520 : i32 to index
        %swap3A_551 = arith.constant 48 : index
        %swap3A_552 = tpu.vector_load %arg11[%swap3A_550, %swap3A_551] {strides = array<i32>} : memref<128x128xf32, #tpu.memory_space<vmem>>, vector<1x16xf32>,
        %swap3A_553 = vector.shape_cast %swap3A_552 : vector<1x16xf32> to vector<16xf32>
        %swap3A_554 = vector.shape_cast %get3A_549 : vector<16xf32> to vector<1x16xf32>
        tpu.vector_store %arg11[%swap3A_550, %swap3A_551], %swap3A_554 {add = true, strides = array<i32>} : memref<128x128xf32, #tpu.memory_space<vmem>>, vector<1x16xf32>,
        %get3A_555 = arith.index_cast %scan3A_520 : i32 to index
        %get3A_556 = arith.constant 64 : index
        %get3A_557 = tpu.vector_load %arg5[%get3A_555, %get3A_556] {strides = array<i32>} : memref<128x128xf32, #tpu.memory_space<vmem>>, vector<1x16xf32>,
        %get3A_558 = vector.shape_cast %get3A_557 : vector<1x16xf32> to vector<16xf32>
        %swap3A_559 = arith.index_cast %scan3A_520 : i32 to index
        %swap3A_560 = arith.constant 64 : index
        %swap3A_561 = tpu.vector_load %arg11[%swap3A_559, %swap3A_560] {strides = array<i32>} : memref<128x128xf32, #tpu.memory_space<vmem>>, vector<1x16xf32>,
        %swap3A_562 = vector.shape_cast %swap3A_561 : vector<1x16xf32> to vector<16xf32>
        %swap3A_563 = vector.shape_cast %get3A_558 : vector<16xf32> to vector<1x16xf32>
        tpu.vector_store %arg11[%swap3A_559, %swap3A_560], %swap3A_563 {add = true, strides = array<i32>} : memref<128x128xf32, #tpu.memory_space<vmem>>, vector<1x16xf32>,
        %get3A_564 = arith.index_cast %scan3A_520 : i32 to index
        %get3A_565 = arith.constant 80 : index
        %get3A_566 = tpu.vector_load %arg5[%get3A_564, %get3A_565] {strides = array<i32>} : memref<128x128xf32, #tpu.memory_space<vmem>>, vector<1x16xf32>,
        %get3A_567 = vector.shape_cast %get3A_566 : vector<1x16xf32> to vector<16xf32>
        %swap3A_568 = arith.index_cast %scan3A_520 : i32 to index
        %swap3A_569 = arith.constant 80 : index
        %swap3A_570 = tpu.vector_load %arg11[%swap3A_568, %swap3A_569] {strides = array<i32>} : memref<128x128xf32, #tpu.memory_space<vmem>>, vector<1x16xf32>,
        %swap3A_571 = vector.shape_cast %swap3A_570 : vector<1x16xf32> to vector<16xf32>
        %swap3A_572 = vector.shape_cast %get3A_567 : vector<16xf32> to vector<1x16xf32>
        tpu.vector_store %arg11[%swap3A_568, %swap3A_569], %swap3A_572 {add = true, strides = array<i32>} : memref<128x128xf32, #tpu.memory_space<vmem>>, vector<1x16xf32>,
        %get3A_573 = arith.index_cast %scan3A_520 : i32 to index
        %get3A_574 = arith.constant 96 : index
        %get3A_575 = tpu.vector_load %arg5[%get3A_573, %get3A_574] {strides = array<i32>} : memref<128x128xf32, #tpu.memory_space<vmem>>, vector<1x16xf32>,
        %get3A_576 = vector.shape_cast %get3A_575 : vector<1x16xf32> to vector<16xf32>
        %swap3A_577 = arith.index_cast %scan3A_520 : i32 to index
        %swap3A_578 = arith.constant 96 : index
        %swap3A_579 = tpu.vector_load %arg11[%swap3A_577, %swap3A_578] {strides = array<i32>} : memref<128x128xf32, #tpu.memory_space<vmem>>, vector<1x16xf32>,
        %swap3A_580 = vector.shape_cast %swap3A_579 : vector<1x16xf32> to vector<16xf32>
        %swap3A_581 = vector.shape_cast %get3A_576 : vector<16xf32> to vector<1x16xf32>
        tpu.vector_store %arg11[%swap3A_577, %swap3A_578], %swap3A_581 {add = true, strides = array<i32>} : memref<128x128xf32, #tpu.memory_space<vmem>>, vector<1x16xf32>,
        %get3A_582 = arith.index_cast %scan3A_520 : i32 to index
        %get3A_583 = arith.constant 112 : index
        %get3A_584 = tpu.vector_load %arg5[%get3A_582, %get3A_583] {strides = array<i32>} : memref<128x128xf32, #tpu.memory_space<vmem>>, vector<1x16xf32>,
        %get3A_585 = vector.shape_cast %get3A_584 : vector<1x16xf32> to vector<16xf32>
        %swap3A_586 = arith.index_cast %scan3A_520 : i32 to index
        %swap3A_587 = arith.constant 112 : index
        %swap3A_588 = tpu.vector_load %arg11[%swap3A_586, %swap3A_587] {strides = array<i32>} : memref<128x128xf32, #tpu.memory_space<vmem>>, vector<1x16xf32>,
        %swap3A_589 = vector.shape_cast %swap3A_588 : vector<1x16xf32> to vector<16xf32>
        %swap3A_590 = vector.shape_cast %get3A_585 : vector<16xf32> to vector<1x16xf32>
        tpu.vector_store %arg11[%swap3A_586, %swap3A_587], %swap3A_590 {add = true, strides = array<i32>} : memref<128x128xf32, #tpu.memory_space<vmem>>, vector<1x16xf32>,
      }
      %scan3A_492 = arith.constant 128 : i32
      %dma_start3A_493 = arith.constant 0 : i32
      %dma_start3A_494 = arith.constant 0 : i32
      %dma_start3A_495 = tpu.memref_slice %arg4[%add3A_478, %dma_start3A_493, %dma_start3A_494] : memref<4096x128x128xf32, #tpu.memory_space<hbm>> -> memref<1x128x128xf32, #tpu.memory_space<hbm>>
      %dma_start3A_496 = tpu.memref_squeeze %dma_start3A_495 : memref<1x128x128xf32, #tpu.memory_space<hbm>> -> memref<128x128xf32, #tpu.memory_space<hbm>>
      %dma_start3A_497 = arith.constant 0 : i32
      %dma_start3A_498 = arith.constant 0 : i32
      %dma_start3A_499 = tpu.memref_slice %arg4[%add3A_478, %dma_start3A_497, %dma_start3A_498] : memref<4096x128x128xf32, #tpu.memory_space<hbm>> -> memref<1x128x128xf32, #tpu.memory_space<hbm>>
      %dma_start3A_500 = tpu.memref_squeeze %dma_start3A_499 : memref<1x128x128xf32, #tpu.memory_space<hbm>> -> memref<128x128xf32, #tpu.memory_space<hbm>>
      tpu.enqueue_dma source(%arg11 : memref<128x128xf32, #tpu.memory_space<vmem>>) target(%dma_start3A_500 : memref<128x128xf32, #tpu.memory_space<hbm>>) target_semaphore(%arg23 : memref<!tpu.dma_semaphore, #tpu.memory_space<semaphore_mem>>)
      %add3A_501 = arith.constant 4 : i32
      %add3A_502 = arith.addi %add3A_472, %add3A_501 : i32
      %sub3A_503 = arith.constant 6 : i32
      %sub3A_504 = arith.subi %add3A_502, %sub3A_503 : i32
      %add3A_505 = arith.addi %mul3A_32, %sub3A_504 : i32
      %mul3A_506 = arith.constant 4 : i32
      %mul3A_507 = arith.muli %add3A_505, %mul3A_506 : i32
      %add3A_508 = arith.addi %mul3A_507, %select_n3A_30 : i32
      %dma_wait3A_509 = arith.constant 0 : i32
      %dma_wait3A_510 = arith.constant 0 : i32
      %dma_wait3A_511 = tpu.memref_slice %arg4[%add3A_508, %dma_wait3A_509, %dma_wait3A_510] : memref<4096x128x128xf32, #tpu.memory_space<hbm>> -> memref<1x128x128xf32, #tpu.memory_space<hbm>>
      %dma_wait3A_512 = tpu.memref_squeeze %dma_wait3A_511 : memref<1x128x128xf32, #tpu.memory_space<hbm>> -> memref<128x128xf32, #tpu.memory_space<hbm>>
      %dma_wait3A_513 = arith.constant 0 : i32
      %dma_wait3A_514 = arith.constant 0 : i32
      %dma_wait3A_515 = tpu.memref_slice %arg4[%add3A_508, %dma_wait3A_513, %dma_wait3A_514] : memref<4096x128x128xf32, #tpu.memory_space<hbm>> -> memref<1x128x128xf32, #tpu.memory_space<hbm>>
      %dma_wait3A_516 = tpu.memref_squeeze %dma_wait3A_515 : memref<1x128x128xf32, #tpu.memory_space<hbm>> -> memref<128x128xf32, #tpu.memory_space<hbm>>
      tpu.wait_dma2 semaphore(%arg21 : memref<!tpu.dma_semaphore, #tpu.memory_space<semaphore_mem>>) src(%arg9 : memref<128x128xf32, #tpu.memory_space<vmem>>) dst(%dma_wait3A_516 : memref<128x128xf32, #tpu.memory_space<hbm>>)
      %convert_element_type3A_517 = arith.extui %lt3A_474 : i1 to i32
      %cond3A_518 = arith.constant 0 : i32
      %cond3A_519 = arith.cmpi ne, %convert_element_type3A_517, %cond3A_518 : i32
      scf.if %cond3A_519 {
        %add3A_520 = arith.constant 4 : i32
        %add3A_521 = arith.addi %add3A_472, %add3A_520 : i32
        %add3A_522 = arith.addi %mul3A_32, %add3A_521 : i32
        %mul3A_523 = arith.constant 4 : i32
        %mul3A_524 = arith.muli %add3A_522, %mul3A_523 : i32
        %add3A_525 = arith.addi %mul3A_524, %select_n3A_30 : i32
        %dma_start3A_526 = arith.constant 0 : i32
        %dma_start3A_527 = arith.constant 0 : i32
        %dma_start3A_528 = tpu.memref_slice %arg2[%add3A_525, %dma_start3A_526, %dma_start3A_527] : memref<4096x128x128xf32, #tpu.memory_space<hbm>> -> memref<1x128x128xf32, #tpu.memory_space<hbm>>
        %dma_start3A_529 = tpu.memref_squeeze %dma_start3A_528 : memref<1x128x128xf32, #tpu.memory_space<hbm>> -> memref<128x128xf32, #tpu.memory_space<hbm>>
        %dma_start3A_530 = arith.constant 0 : i32
        %dma_start3A_531 = arith.constant 0 : i32
        %dma_start3A_532 = tpu.memref_slice %arg2[%add3A_525, %dma_start3A_530, %dma_start3A_531] : memref<4096x128x128xf32, #tpu.memory_space<hbm>> -> memref<1x128x128xf32, #tpu.memory_space<hbm>>
        %dma_start3A_533 = tpu.memref_squeeze %dma_start3A_532 : memref<1x128x128xf32, #tpu.memory_space<hbm>> -> memref<128x128xf32, #tpu.memory_space<hbm>>
        tpu.enqueue_dma source(%dma_start3A_533 : memref<128x128xf32, #tpu.memory_space<hbm>>) target(%arg9 : memref<128x128xf32, #tpu.memory_space<vmem>>) target_semaphore(%arg15 : memref<!tpu.dma_semaphore, #tpu.memory_space<semaphore_mem>>)
      } else {
      }
    }
    %scan3A_88 = arith.constant 21 : i32
    %add3A_89 = arith.constant 126 : i32
    %add3A_90 = arith.addi %mul3A_32, %add3A_89 : i32
    %mul3A_91 = arith.constant 4 : i32
    %mul3A_92 = arith.muli %add3A_90, %mul3A_91 : i32
    %add3A_93 = arith.addi %mul3A_92, %select_n3A_30 : i32
    %dma_wait3A = arith.constant 0 : i32
    %dma_wait3A_94 = arith.constant 0 : i32
    %dma_wait3A_95 = tpu.memref_slice %arg2[%add3A_93, %dma_wait3A, %dma_wait3A_94] : memref<4096x128x128xf32, #tpu.memory_space<hbm>> -> memref<1x128x128xf32, #tpu.memory_space<hbm>>
    %dma_wait3A_96 = tpu.memref_squeeze %dma_wait3A_95 : memref<1x128x128xf32, #tpu.memory_space<hbm>> -> memref<128x128xf32, #tpu.memory_space<hbm>>
    %dma_wait3A_97 = arith.constant 0 : i32
    %dma_wait3A_98 = arith.constant 0 : i32
    %dma_wait3A_99 = tpu.memref_slice %arg2[%add3A_93, %dma_wait3A_97, %dma_wait3A_98] : memref<4096x128x128xf32, #tpu.memory_space<hbm>> -> memref<1x128x128xf32, #tpu.memory_space<hbm>>
    %dma_wait3A_100 = tpu.memref_squeeze %dma_wait3A_99 : memref<1x128x128xf32, #tpu.memory_space<hbm>> -> memref<128x128xf32, #tpu.memory_space<hbm>>
    tpu.wait_dma2 semaphore(%arg12 : memref<!tpu.dma_semaphore, #tpu.memory_space<semaphore_mem>>) src(%dma_wait3A_100 : memref<128x128xf32, #tpu.memory_space<hbm>>) dst(%arg6 : memref<128x128xf32, #tpu.memory_space<vmem>>)
    %scan3A_101 = arith.constant 0 : i32
    %scan3A_102 = arith.constant 0 : i32
    %scan3A_103 = arith.constant 128 : i32
    %scan3A_104 = arith.addi %scan3A_102, %scan3A_103 : i32
    %scan3A_105 = arith.constant 1 : i32
    scf.for %scan3A_194 = %scan3A_102 to %scan3A_104 step %scan3A_105  : i32 {
      %get3A = arith.index_cast %scan3A_194 : i32 to index
      %get3A_195 = arith.constant 0 : index
      %get3A_196 = tpu.vector_load %arg5[%get3A, %get3A_195] {strides = array<i32>} : memref<128x128xf32, #tpu.memory_space<vmem>>, vector<1x16xf32>,
      %get3A_197 = vector.shape_cast %get3A_196 : vector<1x16xf32> to vector<16xf32>
      %swap3A = arith.index_cast %scan3A_194 : i32 to index
      %swap3A_198 = arith.constant 0 : index
      %swap3A_199 = tpu.vector_load %arg6[%swap3A, %swap3A_198] {strides = array<i32>} : memref<128x128xf32, #tpu.memory_space<vmem>>, vector<1x16xf32>,
      %swap3A_200 = vector.shape_cast %swap3A_199 : vector<1x16xf32> to vector<16xf32>
      %swap3A_201 = vector.shape_cast %get3A_197 : vector<16xf32> to vector<1x16xf32>
      tpu.vector_store %arg6[%swap3A, %swap3A_198], %swap3A_201 {add = true, strides = array<i32>} : memref<128x128xf32, #tpu.memory_space<vmem>>, vector<1x16xf32>,
      %get3A_202 = arith.index_cast %scan3A_194 : i32 to index
      %get3A_203 = arith.constant 16 : index
      %get3A_204 = tpu.vector_load %arg5[%get3A_202, %get3A_203] {strides = array<i32>} : memref<128x128xf32, #tpu.memory_space<vmem>>, vector<1x16xf32>,
      %get3A_205 = vector.shape_cast %get3A_204 : vector<1x16xf32> to vector<16xf32>
      %swap3A_206 = arith.index_cast %scan3A_194 : i32 to index
      %swap3A_207 = arith.constant 16 : index
      %swap3A_208 = tpu.vector_load %arg6[%swap3A_206, %swap3A_207] {strides = array<i32>} : memref<128x128xf32, #tpu.memory_space<vmem>>, vector<1x16xf32>,
      %swap3A_209 = vector.shape_cast %swap3A_208 : vector<1x16xf32> to vector<16xf32>
      %swap3A_210 = vector.shape_cast %get3A_205 : vector<16xf32> to vector<1x16xf32>
      tpu.vector_store %arg6[%swap3A_206, %swap3A_207], %swap3A_210 {add = true, strides = array<i32>} : memref<128x128xf32, #tpu.memory_space<vmem>>, vector<1x16xf32>,
      %get3A_211 = arith.index_cast %scan3A_194 : i32 to index
      %get3A_212 = arith.constant 32 : index
      %get3A_213 = tpu.vector_load %arg5[%get3A_211, %get3A_212] {strides = array<i32>} : memref<128x128xf32, #tpu.memory_space<vmem>>, vector<1x16xf32>,
      %get3A_214 = vector.shape_cast %get3A_213 : vector<1x16xf32> to vector<16xf32>
      %swap3A_215 = arith.index_cast %scan3A_194 : i32 to index
      %swap3A_216 = arith.constant 32 : index
      %swap3A_217 = tpu.vector_load %arg6[%swap3A_215, %swap3A_216] {strides = array<i32>} : memref<128x128xf32, #tpu.memory_space<vmem>>, vector<1x16xf32>,
      %swap3A_218 = vector.shape_cast %swap3A_217 : vector<1x16xf32> to vector<16xf32>
      %swap3A_219 = vector.shape_cast %get3A_214 : vector<16xf32> to vector<1x16xf32>
      tpu.vector_store %arg6[%swap3A_215, %swap3A_216], %swap3A_219 {add = true, strides = array<i32>} : memref<128x128xf32, #tpu.memory_space<vmem>>, vector<1x16xf32>,
      %get3A_220 = arith.index_cast %scan3A_194 : i32 to index
      %get3A_221 = arith.constant 48 : index
      %get3A_222 = tpu.vector_load %arg5[%get3A_220, %get3A_221] {strides = array<i32>} : memref<128x128xf32, #tpu.memory_space<vmem>>, vector<1x16xf32>,
      %get3A_223 = vector.shape_cast %get3A_222 : vector<1x16xf32> to vector<16xf32>
      %swap3A_224 = arith.index_cast %scan3A_194 : i32 to index
      %swap3A_225 = arith.constant 48 : index
      %swap3A_226 = tpu.vector_load %arg6[%swap3A_224, %swap3A_225] {strides = array<i32>} : memref<128x128xf32, #tpu.memory_space<vmem>>, vector<1x16xf32>,
      %swap3A_227 = vector.shape_cast %swap3A_226 : vector<1x16xf32> to vector<16xf32>
      %swap3A_228 = vector.shape_cast %get3A_223 : vector<16xf32> to vector<1x16xf32>
      tpu.vector_store %arg6[%swap3A_224, %swap3A_225], %swap3A_228 {add = true, strides = array<i32>} : memref<128x128xf32, #tpu.memory_space<vmem>>, vector<1x16xf32>,
      %get3A_229 = arith.index_cast %scan3A_194 : i32 to index
      %get3A_230 = arith.constant 64 : index
      %get3A_231 = tpu.vector_load %arg5[%get3A_229, %get3A_230] {strides = array<i32>} : memref<128x128xf32, #tpu.memory_space<vmem>>, vector<1x16xf32>,
      %get3A_232 = vector.shape_cast %get3A_231 : vector<1x16xf32> to vector<16xf32>
      %swap3A_233 = arith.index_cast %scan3A_194 : i32 to index
      %swap3A_234 = arith.constant 64 : index
      %swap3A_235 = tpu.vector_load %arg6[%swap3A_233, %swap3A_234] {strides = array<i32>} : memref<128x128xf32, #tpu.memory_space<vmem>>, vector<1x16xf32>,
      %swap3A_236 = vector.shape_cast %swap3A_235 : vector<1x16xf32> to vector<16xf32>
      %swap3A_237 = vector.shape_cast %get3A_232 : vector<16xf32> to vector<1x16xf32>
      tpu.vector_store %arg6[%swap3A_233, %swap3A_234], %swap3A_237 {add = true, strides = array<i32>} : memref<128x128xf32, #tpu.memory_space<vmem>>, vector<1x16xf32>,
      %get3A_238 = arith.index_cast %scan3A_194 : i32 to index
      %get3A_239 = arith.constant 80 : index
      %get3A_240 = tpu.vector_load %arg5[%get3A_238, %get3A_239] {strides = array<i32>} : memref<128x128xf32, #tpu.memory_space<vmem>>, vector<1x16xf32>,
      %get3A_241 = vector.shape_cast %get3A_240 : vector<1x16xf32> to vector<16xf32>
      %swap3A_242 = arith.index_cast %scan3A_194 : i32 to index
      %swap3A_243 = arith.constant 80 : index
      %swap3A_244 = tpu.vector_load %arg6[%swap3A_242, %swap3A_243] {strides = array<i32>} : memref<128x128xf32, #tpu.memory_space<vmem>>, vector<1x16xf32>,
      %swap3A_245 = vector.shape_cast %swap3A_244 : vector<1x16xf32> to vector<16xf32>
      %swap3A_246 = vector.shape_cast %get3A_241 : vector<16xf32> to vector<1x16xf32>
      tpu.vector_store %arg6[%swap3A_242, %swap3A_243], %swap3A_246 {add = true, strides = array<i32>} : memref<128x128xf32, #tpu.memory_space<vmem>>, vector<1x16xf32>,
      %get3A_247 = arith.index_cast %scan3A_194 : i32 to index
      %get3A_248 = arith.constant 96 : index
      %get3A_249 = tpu.vector_load %arg5[%get3A_247, %get3A_248] {strides = array<i32>} : memref<128x128xf32, #tpu.memory_space<vmem>>, vector<1x16xf32>,
      %get3A_250 = vector.shape_cast %get3A_249 : vector<1x16xf32> to vector<16xf32>
      %swap3A_251 = arith.index_cast %scan3A_194 : i32 to index
      %swap3A_252 = arith.constant 96 : index
      %swap3A_253 = tpu.vector_load %arg6[%swap3A_251, %swap3A_252] {strides = array<i32>} : memref<128x128xf32, #tpu.memory_space<vmem>>, vector<1x16xf32>,
      %swap3A_254 = vector.shape_cast %swap3A_253 : vector<1x16xf32> to vector<16xf32>
      %swap3A_255 = vector.shape_cast %get3A_250 : vector<16xf32> to vector<1x16xf32>
      tpu.vector_store %arg6[%swap3A_251, %swap3A_252], %swap3A_255 {add = true, strides = array<i32>} : memref<128x128xf32, #tpu.memory_space<vmem>>, vector<1x16xf32>,
      %get3A_256 = arith.index_cast %scan3A_194 : i32 to index
      %get3A_257 = arith.constant 112 : index
      %get3A_258 = tpu.vector_load %arg5[%get3A_256, %get3A_257] {strides = array<i32>} : memref<128x128xf32, #tpu.memory_space<vmem>>, vector<1x16xf32>,
      %get3A_259 = vector.shape_cast %get3A_258 : vector<1x16xf32> to vector<16xf32>
      %swap3A_260 = arith.index_cast %scan3A_194 : i32 to index
      %swap3A_261 = arith.constant 112 : index
      %swap3A_262 = tpu.vector_load %arg6[%swap3A_260, %swap3A_261] {strides = array<i32>} : memref<128x128xf32, #tpu.memory_space<vmem>>, vector<1x16xf32>,
      %swap3A_263 = vector.shape_cast %swap3A_262 : vector<1x16xf32> to vector<16xf32>
      %swap3A_264 = vector.shape_cast %get3A_259 : vector<16xf32> to vector<1x16xf32>
      tpu.vector_store %arg6[%swap3A_260, %swap3A_261], %swap3A_264 {add = true, strides = array<i32>} : memref<128x128xf32, #tpu.memory_space<vmem>>, vector<1x16xf32>,
    }
    %scan3A_106 = arith.constant 128 : i32
    %dma_start3A_107 = arith.constant 0 : i32
    %dma_start3A_108 = arith.constant 0 : i32
    %dma_start3A_109 = tpu.memref_slice %arg4[%add3A_93, %dma_start3A_107, %dma_start3A_108] : memref<4096x128x128xf32, #tpu.memory_space<hbm>> -> memref<1x128x128xf32, #tpu.memory_space<hbm>>
    %dma_start3A_110 = tpu.memref_squeeze %dma_start3A_109 : memref<1x128x128xf32, #tpu.memory_space<hbm>> -> memref<128x128xf32, #tpu.memory_space<hbm>>
    %dma_start3A_111 = arith.constant 0 : i32
    %dma_start3A_112 = arith.constant 0 : i32
    %dma_start3A_113 = tpu.memref_slice %arg4[%add3A_93, %dma_start3A_111, %dma_start3A_112] : memref<4096x128x128xf32, #tpu.memory_space<hbm>> -> memref<1x128x128xf32, #tpu.memory_space<hbm>>
    %dma_start3A_114 = tpu.memref_squeeze %dma_start3A_113 : memref<1x128x128xf32, #tpu.memory_space<hbm>> -> memref<128x128xf32, #tpu.memory_space<hbm>>
    tpu.enqueue_dma source(%arg6 : memref<128x128xf32, #tpu.memory_space<vmem>>) target(%dma_start3A_114 : memref<128x128xf32, #tpu.memory_space<hbm>>) target_semaphore(%arg18 : memref<!tpu.dma_semaphore, #tpu.memory_space<semaphore_mem>>)
    %add3A_115 = arith.constant 124 : i32
    %add3A_116 = arith.addi %mul3A_32, %add3A_115 : i32
    %mul3A_117 = arith.constant 4 : i32
    %mul3A_118 = arith.muli %add3A_116, %mul3A_117 : i32
    %add3A_119 = arith.addi %mul3A_118, %select_n3A_30 : i32
    %dma_wait3A_120 = arith.constant 0 : i32
    %dma_wait3A_121 = arith.constant 0 : i32
    %dma_wait3A_122 = tpu.memref_slice %arg4[%add3A_119, %dma_wait3A_120, %dma_wait3A_121] : memref<4096x128x128xf32, #tpu.memory_space<hbm>> -> memref<1x128x128xf32, #tpu.memory_space<hbm>>
    %dma_wait3A_123 = tpu.memref_squeeze %dma_wait3A_122 : memref<1x128x128xf32, #tpu.memory_space<hbm>> -> memref<128x128xf32, #tpu.memory_space<hbm>>
    %dma_wait3A_124 = arith.constant 0 : i32
    %dma_wait3A_125 = arith.constant 0 : i32
    %dma_wait3A_126 = tpu.memref_slice %arg4[%add3A_119, %dma_wait3A_124, %dma_wait3A_125] : memref<4096x128x128xf32, #tpu.memory_space<hbm>> -> memref<1x128x128xf32, #tpu.memory_space<hbm>>
    %dma_wait3A_127 = tpu.memref_squeeze %dma_wait3A_126 : memref<1x128x128xf32, #tpu.memory_space<hbm>> -> memref<128x128xf32, #tpu.memory_space<hbm>>
    tpu.wait_dma2 semaphore(%arg22 : memref<!tpu.dma_semaphore, #tpu.memory_space<semaphore_mem>>) src(%arg10 : memref<128x128xf32, #tpu.memory_space<vmem>>) dst(%dma_wait3A_127 : memref<128x128xf32, #tpu.memory_space<hbm>>)
    %add3A_128 = arith.constant 127 : i32
    %add3A_129 = arith.addi %mul3A_32, %add3A_128 : i32
    %mul3A_130 = arith.constant 4 : i32
    %mul3A_131 = arith.muli %add3A_129, %mul3A_130 : i32
    %add3A_132 = arith.addi %mul3A_131, %select_n3A_30 : i32
    %dma_wait3A_133 = arith.constant 0 : i32
    %dma_wait3A_134 = arith.constant 0 : i32
    %dma_wait3A_135 = tpu.memref_slice %arg2[%add3A_132, %dma_wait3A_133, %dma_wait3A_134] : memref<4096x128x128xf32, #tpu.memory_space<hbm>> -> memref<1x128x128xf32, #tpu.memory_space<hbm>>
    %dma_wait3A_136 = tpu.memref_squeeze %dma_wait3A_135 : memref<1x128x128xf32, #tpu.memory_space<hbm>> -> memref<128x128xf32, #tpu.memory_space<hbm>>
    %dma_wait3A_137 = arith.constant 0 : i32
    %dma_wait3A_138 = arith.constant 0 : i32
    %dma_wait3A_139 = tpu.memref_slice %arg2[%add3A_132, %dma_wait3A_137, %dma_wait3A_138] : memref<4096x128x128xf32, #tpu.memory_space<hbm>> -> memref<1x128x128xf32, #tpu.memory_space<hbm>>
    %dma_wait3A_140 = tpu.memref_squeeze %dma_wait3A_139 : memref<1x128x128xf32, #tpu.memory_space<hbm>> -> memref<128x128xf32, #tpu.memory_space<hbm>>
    tpu.wait_dma2 semaphore(%arg13 : memref<!tpu.dma_semaphore, #tpu.memory_space<semaphore_mem>>) src(%dma_wait3A_140 : memref<128x128xf32, #tpu.memory_space<hbm>>) dst(%arg7 : memref<128x128xf32, #tpu.memory_space<vmem>>)
    %scan3A_141 = arith.constant 0 : i32
    %scan3A_142 = arith.constant 0 : i32
    %scan3A_143 = arith.constant 128 : i32
    %scan3A_144 = arith.addi %scan3A_142, %scan3A_143 : i32
    %scan3A_145 = arith.constant 1 : i32
    scf.for %scan3A_194 = %scan3A_142 to %scan3A_144 step %scan3A_145  : i32 {
      %get3A = arith.index_cast %scan3A_194 : i32 to index
      %get3A_195 = arith.constant 0 : index
      %get3A_196 = tpu.vector_load %arg5[%get3A, %get3A_195] {strides = array<i32>} : memref<128x128xf32, #tpu.memory_space<vmem>>, vector<1x16xf32>,
      %get3A_197 = vector.shape_cast %get3A_196 : vector<1x16xf32> to vector<16xf32>
      %swap3A = arith.index_cast %scan3A_194 : i32 to index
      %swap3A_198 = arith.constant 0 : index
      %swap3A_199 = tpu.vector_load %arg7[%swap3A, %swap3A_198] {strides = array<i32>} : memref<128x128xf32, #tpu.memory_space<vmem>>, vector<1x16xf32>,
      %swap3A_200 = vector.shape_cast %swap3A_199 : vector<1x16xf32> to vector<16xf32>
      %swap3A_201 = vector.shape_cast %get3A_197 : vector<16xf32> to vector<1x16xf32>
      tpu.vector_store %arg7[%swap3A, %swap3A_198], %swap3A_201 {add = true, strides = array<i32>} : memref<128x128xf32, #tpu.memory_space<vmem>>, vector<1x16xf32>,
      %get3A_202 = arith.index_cast %scan3A_194 : i32 to index
      %get3A_203 = arith.constant 16 : index
      %get3A_204 = tpu.vector_load %arg5[%get3A_202, %get3A_203] {strides = array<i32>} : memref<128x128xf32, #tpu.memory_space<vmem>>, vector<1x16xf32>,
      %get3A_205 = vector.shape_cast %get3A_204 : vector<1x16xf32> to vector<16xf32>
      %swap3A_206 = arith.index_cast %scan3A_194 : i32 to index
      %swap3A_207 = arith.constant 16 : index
      %swap3A_208 = tpu.vector_load %arg7[%swap3A_206, %swap3A_207] {strides = array<i32>} : memref<128x128xf32, #tpu.memory_space<vmem>>, vector<1x16xf32>,
      %swap3A_209 = vector.shape_cast %swap3A_208 : vector<1x16xf32> to vector<16xf32>
      %swap3A_210 = vector.shape_cast %get3A_205 : vector<16xf32> to vector<1x16xf32>
      tpu.vector_store %arg7[%swap3A_206, %swap3A_207], %swap3A_210 {add = true, strides = array<i32>} : memref<128x128xf32, #tpu.memory_space<vmem>>, vector<1x16xf32>,
      %get3A_211 = arith.index_cast %scan3A_194 : i32 to index
      %get3A_212 = arith.constant 32 : index
      %get3A_213 = tpu.vector_load %arg5[%get3A_211, %get3A_212] {strides = array<i32>} : memref<128x128xf32, #tpu.memory_space<vmem>>, vector<1x16xf32>,
      %get3A_214 = vector.shape_cast %get3A_213 : vector<1x16xf32> to vector<16xf32>
      %swap3A_215 = arith.index_cast %scan3A_194 : i32 to index
      %swap3A_216 = arith.constant 32 : index
      %swap3A_217 = tpu.vector_load %arg7[%swap3A_215, %swap3A_216] {strides = array<i32>} : memref<128x128xf32, #tpu.memory_space<vmem>>, vector<1x16xf32>,
      %swap3A_218 = vector.shape_cast %swap3A_217 : vector<1x16xf32> to vector<16xf32>
      %swap3A_219 = vector.shape_cast %get3A_214 : vector<16xf32> to vector<1x16xf32>
      tpu.vector_store %arg7[%swap3A_215, %swap3A_216], %swap3A_219 {add = true, strides = array<i32>} : memref<128x128xf32, #tpu.memory_space<vmem>>, vector<1x16xf32>,
      %get3A_220 = arith.index_cast %scan3A_194 : i32 to index
      %get3A_221 = arith.constant 48 : index
      %get3A_222 = tpu.vector_load %arg5[%get3A_220, %get3A_221] {strides = array<i32>} : memref<128x128xf32, #tpu.memory_space<vmem>>, vector<1x16xf32>,
      %get3A_223 = vector.shape_cast %get3A_222 : vector<1x16xf32> to vector<16xf32>
      %swap3A_224 = arith.index_cast %scan3A_194 : i32 to index
      %swap3A_225 = arith.constant 48 : index
      %swap3A_226 = tpu.vector_load %arg7[%swap3A_224, %swap3A_225] {strides = array<i32>} : memref<128x128xf32, #tpu.memory_space<vmem>>, vector<1x16xf32>,
      %swap3A_227 = vector.shape_cast %swap3A_226 : vector<1x16xf32> to vector<16xf32>
      %swap3A_228 = vector.shape_cast %get3A_223 : vector<16xf32> to vector<1x16xf32>
      tpu.vector_store %arg7[%swap3A_224, %swap3A_225], %swap3A_228 {add = true, strides = array<i32>} : memref<128x128xf32, #tpu.memory_space<vmem>>, vector<1x16xf32>,
      %get3A_229 = arith.index_cast %scan3A_194 : i32 to index
      %get3A_230 = arith.constant 64 : index
      %get3A_231 = tpu.vector_load %arg5[%get3A_229, %get3A_230] {strides = array<i32>} : memref<128x128xf32, #tpu.memory_space<vmem>>, vector<1x16xf32>,
      %get3A_232 = vector.shape_cast %get3A_231 : vector<1x16xf32> to vector<16xf32>
      %swap3A_233 = arith.index_cast %scan3A_194 : i32 to index
      %swap3A_234 = arith.constant 64 : index
      %swap3A_235 = tpu.vector_load %arg7[%swap3A_233, %swap3A_234] {strides = array<i32>} : memref<128x128xf32, #tpu.memory_space<vmem>>, vector<1x16xf32>,
      %swap3A_236 = vector.shape_cast %swap3A_235 : vector<1x16xf32> to vector<16xf32>
      %swap3A_237 = vector.shape_cast %get3A_232 : vector<16xf32> to vector<1x16xf32>
      tpu.vector_store %arg7[%swap3A_233, %swap3A_234], %swap3A_237 {add = true, strides = array<i32>} : memref<128x128xf32, #tpu.memory_space<vmem>>, vector<1x16xf32>,
      %get3A_238 = arith.index_cast %scan3A_194 : i32 to index
      %get3A_239 = arith.constant 80 : index
      %get3A_240 = tpu.vector_load %arg5[%get3A_238, %get3A_239] {strides = array<i32>} : memref<128x128xf32, #tpu.memory_space<vmem>>, vector<1x16xf32>,
      %get3A_241 = vector.shape_cast %get3A_240 : vector<1x16xf32> to vector<16xf32>
      %swap3A_242 = arith.index_cast %scan3A_194 : i32 to index
      %swap3A_243 = arith.constant 80 : index
      %swap3A_244 = tpu.vector_load %arg7[%swap3A_242, %swap3A_243] {strides = array<i32>} : memref<128x128xf32, #tpu.memory_space<vmem>>, vector<1x16xf32>,
      %swap3A_245 = vector.shape_cast %swap3A_244 : vector<1x16xf32> to vector<16xf32>
      %swap3A_246 = vector.shape_cast %get3A_241 : vector<16xf32> to vector<1x16xf32>
      tpu.vector_store %arg7[%swap3A_242, %swap3A_243], %swap3A_246 {add = true, strides = array<i32>} : memref<128x128xf32, #tpu.memory_space<vmem>>, vector<1x16xf32>,
      %get3A_247 = arith.index_cast %scan3A_194 : i32 to index
      %get3A_248 = arith.constant 96 : index
      %get3A_249 = tpu.vector_load %arg5[%get3A_247, %get3A_248] {strides = array<i32>} : memref<128x128xf32, #tpu.memory_space<vmem>>, vector<1x16xf32>,
      %get3A_250 = vector.shape_cast %get3A_249 : vector<1x16xf32> to vector<16xf32>
      %swap3A_251 = arith.index_cast %scan3A_194 : i32 to index
      %swap3A_252 = arith.constant 96 : index
      %swap3A_253 = tpu.vector_load %arg7[%swap3A_251, %swap3A_252] {strides = array<i32>} : memref<128x128xf32, #tpu.memory_space<vmem>>, vector<1x16xf32>,
      %swap3A_254 = vector.shape_cast %swap3A_253 : vector<1x16xf32> to vector<16xf32>
      %swap3A_255 = vector.shape_cast %get3A_250 : vector<16xf32> to vector<1x16xf32>
      tpu.vector_store %arg7[%swap3A_251, %swap3A_252], %swap3A_255 {add = true, strides = array<i32>} : memref<128x128xf32, #tpu.memory_space<vmem>>, vector<1x16xf32>,
      %get3A_256 = arith.index_cast %scan3A_194 : i32 to index
      %get3A_257 = arith.constant 112 : index
      %get3A_258 = tpu.vector_load %arg5[%get3A_256, %get3A_257] {strides = array<i32>} : memref<128x128xf32, #tpu.memory_space<vmem>>, vector<1x16xf32>,
      %get3A_259 = vector.shape_cast %get3A_258 : vector<1x16xf32> to vector<16xf32>
      %swap3A_260 = arith.index_cast %scan3A_194 : i32 to index
      %swap3A_261 = arith.constant 112 : index
      %swap3A_262 = tpu.vector_load %arg7[%swap3A_260, %swap3A_261] {strides = array<i32>} : memref<128x128xf32, #tpu.memory_space<vmem>>, vector<1x16xf32>,
      %swap3A_263 = vector.shape_cast %swap3A_262 : vector<1x16xf32> to vector<16xf32>
      %swap3A_264 = vector.shape_cast %get3A_259 : vector<16xf32> to vector<1x16xf32>
      tpu.vector_store %arg7[%swap3A_260, %swap3A_261], %swap3A_264 {add = true, strides = array<i32>} : memref<128x128xf32, #tpu.memory_space<vmem>>, vector<1x16xf32>,
    }
    %scan3A_146 = arith.constant 128 : i32
    %dma_start3A_147 = arith.constant 0 : i32
    %dma_start3A_148 = arith.constant 0 : i32
    %dma_start3A_149 = tpu.memref_slice %arg4[%add3A_132, %dma_start3A_147, %dma_start3A_148] : memref<4096x128x128xf32, #tpu.memory_space<hbm>> -> memref<1x128x128xf32, #tpu.memory_space<hbm>>
    %dma_start3A_150 = tpu.memref_squeeze %dma_start3A_149 : memref<1x128x128xf32, #tpu.memory_space<hbm>> -> memref<128x128xf32, #tpu.memory_space<hbm>>
    %dma_start3A_151 = arith.constant 0 : i32
    %dma_start3A_152 = arith.constant 0 : i32
    %dma_start3A_153 = tpu.memref_slice %arg4[%add3A_132, %dma_start3A_151, %dma_start3A_152] : memref<4096x128x128xf32, #tpu.memory_space<hbm>> -> memref<1x128x128xf32, #tpu.memory_space<hbm>>
    %dma_start3A_154 = tpu.memref_squeeze %dma_start3A_153 : memref<1x128x128xf32, #tpu.memory_space<hbm>> -> memref<128x128xf32, #tpu.memory_space<hbm>>
    tpu.enqueue_dma source(%arg7 : memref<128x128xf32, #tpu.memory_space<vmem>>) target(%dma_start3A_154 : memref<128x128xf32, #tpu.memory_space<hbm>>) target_semaphore(%arg19 : memref<!tpu.dma_semaphore, #tpu.memory_space<semaphore_mem>>)
    %add3A_155 = arith.constant 125 : i32
    %add3A_156 = arith.addi %mul3A_32, %add3A_155 : i32
    %mul3A_157 = arith.constant 4 : i32
    %mul3A_158 = arith.muli %add3A_156, %mul3A_157 : i32
    %add3A_159 = arith.addi %mul3A_158, %select_n3A_30 : i32
    %dma_wait3A_160 = arith.constant 0 : i32
    %dma_wait3A_161 = arith.constant 0 : i32
    %dma_wait3A_162 = tpu.memref_slice %arg4[%add3A_159, %dma_wait3A_160, %dma_wait3A_161] : memref<4096x128x128xf32, #tpu.memory_space<hbm>> -> memref<1x128x128xf32, #tpu.memory_space<hbm>>
    %dma_wait3A_163 = tpu.memref_squeeze %dma_wait3A_162 : memref<1x128x128xf32, #tpu.memory_space<hbm>> -> memref<128x128xf32, #tpu.memory_space<hbm>>
    %dma_wait3A_164 = arith.constant 0 : i32
    %dma_wait3A_165 = arith.constant 0 : i32
    %dma_wait3A_166 = tpu.memref_slice %arg4[%add3A_159, %dma_wait3A_164, %dma_wait3A_165] : memref<4096x128x128xf32, #tpu.memory_space<hbm>> -> memref<1x128x128xf32, #tpu.memory_space<hbm>>
    %dma_wait3A_167 = tpu.memref_squeeze %dma_wait3A_166 : memref<1x128x128xf32, #tpu.memory_space<hbm>> -> memref<128x128xf32, #tpu.memory_space<hbm>>
    tpu.wait_dma2 semaphore(%arg23 : memref<!tpu.dma_semaphore, #tpu.memory_space<semaphore_mem>>) src(%arg11 : memref<128x128xf32, #tpu.memory_space<vmem>>) dst(%dma_wait3A_167 : memref<128x128xf32, #tpu.memory_space<hbm>>)
    %add3A_168 = arith.constant 126 : i32
    %add3A_169 = arith.addi %mul3A_32, %add3A_168 : i32
    %mul3A_170 = arith.constant 4 : i32
    %mul3A_171 = arith.muli %add3A_169, %mul3A_170 : i32
    %add3A_172 = arith.addi %mul3A_171, %select_n3A_30 : i32
    %dma_wait3A_173 = arith.constant 0 : i32
    %dma_wait3A_174 = arith.constant 0 : i32
    %dma_wait3A_175 = tpu.memref_slice %arg4[%add3A_172, %dma_wait3A_173, %dma_wait3A_174] : memref<4096x128x128xf32, #tpu.memory_space<hbm>> -> memref<1x128x128xf32, #tpu.memory_space<hbm>>
    %dma_wait3A_176 = tpu.memref_squeeze %dma_wait3A_175 : memref<1x128x128xf32, #tpu.memory_space<hbm>> -> memref<128x128xf32, #tpu.memory_space<hbm>>
    %dma_wait3A_177 = arith.constant 0 : i32
    %dma_wait3A_178 = arith.constant 0 : i32
    %dma_wait3A_179 = tpu.memref_slice %arg4[%add3A_172, %dma_wait3A_177, %dma_wait3A_178] : memref<4096x128x128xf32, #tpu.memory_space<hbm>> -> memref<1x128x128xf32, #tpu.memory_space<hbm>>
    %dma_wait3A_180 = tpu.memref_squeeze %dma_wait3A_179 : memref<1x128x128xf32, #tpu.memory_space<hbm>> -> memref<128x128xf32, #tpu.memory_space<hbm>>
    tpu.wait_dma2 semaphore(%arg18 : memref<!tpu.dma_semaphore, #tpu.memory_space<semaphore_mem>>) src(%arg6 : memref<128x128xf32, #tpu.memory_space<vmem>>) dst(%dma_wait3A_180 : memref<128x128xf32, #tpu.memory_space<hbm>>)
    %add3A_181 = arith.constant 127 : i32
    %add3A_182 = arith.addi %mul3A_32, %add3A_181 : i32
    %mul3A_183 = arith.constant 4 : i32
    %mul3A_184 = arith.muli %add3A_182, %mul3A_183 : i32
    %add3A_185 = arith.addi %mul3A_184, %select_n3A_30 : i32
    %dma_wait3A_186 = arith.constant 0 : i32
    %dma_wait3A_187 = arith.constant 0 : i32
    %dma_wait3A_188 = tpu.memref_slice %arg4[%add3A_185, %dma_wait3A_186, %dma_wait3A_187] : memref<4096x128x128xf32, #tpu.memory_space<hbm>> -> memref<1x128x128xf32, #tpu.memory_space<hbm>>
    %dma_wait3A_189 = tpu.memref_squeeze %dma_wait3A_188 : memref<1x128x128xf32, #tpu.memory_space<hbm>> -> memref<128x128xf32, #tpu.memory_space<hbm>>
    %dma_wait3A_190 = arith.constant 0 : i32
    %dma_wait3A_191 = arith.constant 0 : i32
    %dma_wait3A_192 = tpu.memref_slice %arg4[%add3A_185, %dma_wait3A_190, %dma_wait3A_191] : memref<4096x128x128xf32, #tpu.memory_space<hbm>> -> memref<1x128x128xf32, #tpu.memory_space<hbm>>
    %dma_wait3A_193 = tpu.memref_squeeze %dma_wait3A_192 : memref<1x128x128xf32, #tpu.memory_space<hbm>> -> memref<128x128xf32, #tpu.memory_space<hbm>>
    tpu.wait_dma2 semaphore(%arg19 : memref<!tpu.dma_semaphore, #tpu.memory_space<semaphore_mem>>) src(%arg7 : memref<128x128xf32, #tpu.memory_space<vmem>>) dst(%dma_wait3A_193 : memref<128x128xf32, #tpu.memory_space<hbm>>)
    return
  }
}

</mosaic_0001>

<sc_bundles>
// kernel: kernel.3.cloned.1.call-start
scs
__scs_entry_jumppad:
0x0: {  	(pc) =	sbr.rel $0x88, $3  }
0x1: {  	(tag) =	ssettag $0x0;
	lr =	simm.s32 $0x1  }
0x2: {  	[smem:$0x3F9F] =	sst lr;
	_ =	strace $0xD0000000  }
0x3: {  	_ = 	snop  }
0x4: {  	_ = 	snop  }
0x5: {  	_ = 	snop  }
0x6: {  	_ = 	snop  }
0x7: {  	_ = 	snop  }
__scs_overlays_trampoline_lowered:
0x8: {  	[smem:$0x3FAE] =	sst s0  }
0x9: {  	[smem:$0x3FAF] =	sst s1  }
0xa: {  	[smem:$0x3FB0] =	sst s2  }
0xb: {  	[smem:$0x3FB1] =	sst s3  }
0xc: {  	[smem:$0x3FB2] =	sst s4  }
0xd: {  	[smem:$0x3FB3] =	sst s5  }
0xe: {  	[smem:$0x3FB4] =	sst s6  }
0xf: {  	[smem:$0x3FB5] =	sst s7  }
0x10: {  	[smem:$0x3FB6] =	sst s8  }
0x11: {  	[smem:$0x3FB7] =	sst s9;
	s0 =	simm.s32 @!p0 $0x0  }
0x12: {  	s1 =	sld [smem:$0x3F9D];
	s0 =	simm.s32 @p0 $0x1  }
0x13: {  	[smem:$0x3FB8] =	sst s0;
	s0 =	simm.s32 @!p1 $0x0  }
0x14: {  	s2 =	sld [smem:$0x3F9C];
	s0 =	simm.s32 @p1 $0x1  }
0x15: {  	[smem:$0x3FB9] =	sst s0;
	s0 =	simm.s32 @!p2 $0x0  }
0x16: {  	s3 =	sld [smem:$0x3FDB];
	s0 =	simm.s32 @p2 $0x1  }
0x17: {  	s4 =	simm.s32 $0x1BF5;
	[smem:$0x3FBB] =	sst s0  }
0x18: {  	s0 =	sld [smem:$0x3F9E];
	_ =	swait.ge [sflag:s4], $0x0  }
0x19: {  	s7 =	sld [smem:$0x3F9F]  }
0x1a: {  	s8 =	sadd.s32 $0xFFFFE003, lr  }
0x1b: {  	s9 =	sadd.s32 $0xFFFFFEF7, lr;
	s5 =	simm.s32 $0xFFFFFFFF;
	p2 =	slt.u32 s8, $0xFFFFF086  }
0x1c: {  	p1 =	slt.u32 s9, $0xF7A;
	s5 =	simm.s32 @!p2 $0x0  }
0x1d: {  	s5 =	simm.s32 @p1 $0x1;
	p0 =	seq.s32 s7, s2  }
0x1e: {  	s7 =	smul.u32 @!p0 $0xF7A, s2;
	p2 =	seq.s32 @!p0 s5, $0x0  }
0x1f: {  	s9 =	smul.u32 $0xF7A, s1;
	s8 =	simm.s32 @!p0 $0x1BF5;
	p2 =	por !p2, p0  }
0x20: {  	[sflag:s8] =	ssyncset.s32 @!p0 $0xFFFFF086;
	s6 =	sadd.s32 @!p0 s3, s7;
	s7 =	simm.s32 @!p0 $0x108  }
0x21: {  	s3 =	sadd.s32 s3, s9;
	s6 =	sadd.s32 @!p0 $0x88, s6;
	s7 =	simm.s32 @p2 $0x1082  }
0x22: {  	[simem:s7], [sflag:s8] =	dma.local @!p0 [hbm:s6], $0xF7A  }
0x23: {  	s9 =	sor.u32 $0xD0000000, s2;
	s6 =	simm.s32 $0x108;
	_ =	swait.ge @!p0 [sflag:s8], $0x0  }
0x24: {  	s3 =	sadd.s32 $0x88, s3;
	s6 =	simm.s32 @!p1 $0x1082;
	[sflag:s4] =	ssyncset.s32 $0xFFFFF086  }
0x25: {  	[simem:s6], [sflag:s4] =	dma.local [hbm:s3], $0xF7A  }
0x26: {  	[smem:$0x3F9F] =	sst s1;
	(tag) =	ssettag s2;
	_ =	strace s9  }
0x27: {  	s1 =	sld [smem:$0x3FAF]  }
0x28: {  	s2 =	sld [smem:$0x3FB0]  }
0x29: {  	s4 =	sld [smem:$0x3FB2]  }
0x2a: {  	p0 =	seq.s32 s5, $0x0;
	s5 =	sld [smem:$0x3FB3]  }
0x2b: {  	s6 =	sld [smem:$0x3FB4]  }
0x2c: {  	s7 =	sld [smem:$0x3FB5]  }
0x2d: {  	s3 =	simm.s32 $0x108;
	s8 =	sld [smem:$0x3FB6]  }
0x2e: {  	s3 =	simm.s32 @!p0 $0x1082;
	s9 =	sld [smem:$0x3FB7]  }
0x2f: {  	lr =	sadd.s32 s0, s3;
	s0 =	sld [smem:$0x3FAE]  }
0x30: {  	s3 =	sld [smem:$0x3FB1]  }
0x31: {  	[smem:$0x3FBA] =	sst s10  }
0x32: {  	s10 =	sld [smem:$0x3FB8];
	_ =	sdelay $0x3  }
0x33: {  	p0 =	seq.s32 s10, $0x1;
	s10 =	sld [smem:$0x3FBA];
	_ =	sdelay $0x3  }
0x34: {  	[smem:$0x3FBA] =	sst s10  }
0x35: {  	s10 =	sld [smem:$0x3FB9];
	_ =	sdelay $0x3  }
0x36: {  	p1 =	seq.s32 s10, $0x1;
	s10 =	sld [smem:$0x3FBA];
	_ =	sdelay $0x3  }
0x37: {  	[smem:$0x3FBA] =	sst s10  }
0x38: {  	s10 =	sld [smem:$0x3FBB]  }
0x39: {  	_ = 	snop;
	(pc) =	sbr.ind lr, $3  }
0x3a: {  	_ = 	snop  }
0x3b: {  	_ = 	snop  }
0x3c: {  	p2 =	seq.s32 s10, $0x1;
	s10 =	sld [smem:$0x3FBA]  }
0x3d: {  	_ =	shalt  }
0x3e: {  	_ =	shalt  }
0x3f: {  	_ =	shalt  }
0x40: {  	_ =	shalt  }
0x41: {  	_ =	shalt  }
0x42: {  	_ =	shalt  }
0x43: {  	_ =	shalt  }
0x44: {  	_ =	shalt  }
0x45: {  	_ =	shalt  }
0x46: {  	_ =	shalt  }
0x47: {  	_ =	shalt  }
0x48: {  	_ =	shalt  }
0x49: {  	_ =	shalt  }
0x4a: {  	_ =	shalt  }
0x4b: {  	_ =	shalt  }
0x4c: {  	_ =	shalt  }
0x4d: {  	_ =	shalt  }
0x4e: {  	_ =	shalt  }
0x4f: {  	_ =	shalt  }
0x50: {  	_ =	shalt  }
0x51: {  	_ =	shalt  }
0x52: {  	_ =	shalt  }
0x53: {  	_ =	shalt  }
0x54: {  	_ =	shalt  }
0x55: {  	_ =	shalt  }
0x56: {  	_ =	shalt  }
0x57: {  	_ =	shalt  }
0x58: {  	_ =	shalt  }
0x59: {  	_ =	shalt  }
0x5a: {  	_ =	shalt  }
0x5b: {  	_ =	shalt  }
0x5c: {  	_ =	shalt  }
0x5d: {  	_ =	shalt  }
0x5e: {  	_ =	shalt  }
0x5f: {  	_ =	shalt  }
0x60: {  	_ =	shalt  }
0x61: {  	_ =	shalt  }
0x62: {  	_ =	shalt  }
0x63: {  	_ =	shalt  }
0x64: {  	_ =	shalt  }
0x65: {  	_ =	shalt  }
0x66: {  	_ =	shalt  }
0x67: {  	_ =	shalt  }
0x68: {  	_ =	shalt  }
0x69: {  	_ =	shalt  }
0x6a: {  	_ =	shalt  }
0x6b: {  	_ =	shalt  }
0x6c: {  	_ =	shalt  }
0x6d: {  	_ =	shalt  }
0x6e: {  	_ =	shalt  }
0x6f: {  	_ =	shalt  }
0x70: {  	_ =	shalt  }
0x71: {  	_ =	shalt  }
0x72: {  	_ =	shalt  }
0x73: {  	_ =	shalt  }
0x74: {  	_ =	shalt  }
0x75: {  	_ =	shalt  }
0x76: {  	_ =	shalt  }
0x77: {  	_ =	shalt  }
0x78: {  	_ =	shalt  }
0x79: {  	_ =	shalt  }
0x7a: {  	_ =	shalt  }
0x7b: {  	_ =	shalt  }
0x7c: {  	_ =	shalt  }
0x7d: {  	_ =	shalt  }
0x7e: {  	_ =	shalt  }
0x7f: {  	_ =	shalt  }
0x80: {  	_ =	shalt  }
0x81: {  	_ =	shalt  }
0x82: {  	_ =	shalt  }
0x83: {  	_ =	shalt  }
0x84: {  	_ =	shalt  }
0x85: {  	_ =	shalt  }
0x86: {  	_ =	shalt  }
0x87: {  	_ =	shalt  }
.Lfunc_end0:
.L_simem_size_0:
called_computation_lowered:
.L_overlay_start_0:
0x88: {  	s2 =	sld [smem:$0x3FD9]  }
0x89: {  	s3 =	sld [smem:$0x3FFE];
	_ =	sdelay $0x1  }
0x8a: {  	s1 =	srdreg.scid  }
0x8b: {  	s0 =	sand.u32 $0x1, s1  }
0x8c: {  	s18 =	sshll.u32 s0, $0xA;
	s2 =	sadd.s32 s3, s2  }
0x8d: {  	s2 =	sadd.s32 s2, s18  }
0x8e: {  	[smem:$0x3FC6] =	sst s2  }
0x8f: {  	_ = 	snop  }
0x90: {  	s2 =	sld [smem:$0x3FC9]  }
0x91: {  	s19 =	sld [smem:$0x3FC8]  }
0x92: {  	s4 =	sld [smem:$0x3FD0];
	(tm) =	ssettm $0x1  }
0x93: {  	s5 =	sld [smem:$0x3FFB];
	_ =	sdelay $0x3  }
0x94: {  	_ =	strace s5  }
0x95: {  	s5 =	sld [smem:$0x3FFC];
	_ =	sdelay $0x3  }
0x96: {  	_ =	strace s5  }
0x97: {  	s5 =	sld [smem:$0x3FFD];
	_ =	sdelay $0x3  }
0x98: {  	_ =	strace s5  }
0x99: {  	_ =	strace $0x8FFFFFFF  }
0x9a: {  	s20 =	sld [smem:$0x3FDB];
	_ =	sdelay $0x1  }
0x9b: {  	s6 =	simm.s32 $_scs_section_size  }
0x9c: {  	s7 =	simm.s32 $_size__tile_overlayer_lowered;
	s8 =	simm.s32 $_tile_overlayer_lowered  }
0x9d: {  	s23 =	simm.s32 $0x1BFF;
	s22 =	sshll.u32 s8, $0x1;
	s5 =	sadd.s32 s6, s20  }
0x9e: {  	s9 =	simm.s32 $0x0;
	s21 =	sshll.u32 s7, $0x1;
	s7 =	sadd.s32 s22, s5  }
0x9f: {  	[timem:s9], [sflag:s23] =	dma.local [hbm:s7], s21  }
0xa0: {  	_ =	swait.ge [sflag:s23], s21  }
0xa1: {  	s6 =	ssub.s32 $0x0, s21;
	[sflag:s23] =	ssyncset.done $0x0  }
0xa2: {  	[sflag:s23] =	ssyncadd.s32 s6;
	_ =	sdelay $0x1  }
0xa3: {  	s24 =	simm.s32 $0x1B8B  }
0xa4: {  	_ =	swait.ge [sflag:s24], $0x1  }
0xa5: {  	[sflag:s24] =	ssyncset.done $0x0  }
0xa6: {  	s25 =	simm.s32 $0x1B8E;
	[sflag:s24] =	ssyncadd.s32 $0xFFFFFFFF  }
0xa7: {  	s26 =	simm.s32 $execute0_lowered;
	[smem:$0x3FD2] =	sst s25  }
0xa8: {  	s6 =	sshll.u32 s26, $0x1;
	_ =	strace $0x80000046;
	[dreg:$0x1] =	wrdreg $0xFFFFFFFF  }
0xa9: {  	s28 =	simm.s32 $_size_execute0_lowered;
	s5 =	sadd.s32 s5, s6;
	[dreg:$0x0] =	wrdreg $0x0  }
0xaa: {  	s6 =	sshll.u32 s28, $0x1;
	[dreg:$0x2] =	wrdreg s5  }
0xab: {  	[dreg:$0x3] =	wrdreg s6  }
0xac: {  	[dreg:$0x4] =	wrdreg $0xC0  }
0xad: {  	_ =	task [dreg:s9], $0x5FFFF  }
0xae: {  	[dreg:$0x1] =	wrdreg $0xFFFFFFFF  }
0xaf: {  	[dreg:$0x0] =	wrdreg $0x60  }
0xb0: {  	[dreg:$0x2] =	wrdreg s2  }
0xb1: {  	[dreg:$0x3] =	wrdreg s19  }
0xb2: {  	[dreg:$0x4] =	wrdreg s4  }
0xb3: {  	[dreg:$0x5] =	wrdreg $0x9  }
0xb4: {  	_ =	task.clear_ibuf [dreg:s9], $0x6FFFF;
	_ =	strace $0x90000046  }
0xb5: {  	s29 =	simm.s32 $0x9;
	_ =	strace $0x80000048  }
0xb6: {  	_ =	swait.ge [sflag:s29], $0x1  }
0xb7: {  	[sflag:s29] =	ssyncadd.s32 $0xFFFFFFFF  }
0xb8: {  	_ =	strace $0x90000048  }
0xb9: {  	_ =	sfence  }
0xba: {  	s30 =	sld [smem:$0x0];
	_ =	sdelay $0x2  }
0xbb: {  	s31 =	sshll.u32 s1, $0xD;
	s1 =	sshrl.u32 s1, $0x2  }
0xbc: {  	s3 =	sand.u32 $0x4000, s31;
	s1 =	sadd.s32 s1, s30  }
0xbd: {  	s0 =	sor.u32 s3, s0;
	s1 =	sshll.u32 s1, $0x11  }
0xbe: {  	s0 =	sor.u32 s1, s0  }
0xbf: {  	s0 =	sadd.s32 $0x8F2B, s0  }
0xc0: {  	[sflag:s0] =	ssyncadd.remote.s32 $0x1  }
0xc1: {  	_ =	sfence.sel $0xFFFF  }
0xc2: {  	[dreg:$0x0] =	wrdreg $0xFFFFFFFF;
	(pc) =	sbr.abs _section_cstart, $3  }
0xc3: {  	[dreg:$0x1] =	wrdreg $0xFFFFFFFF  }
0xc4: {  	_ =	task.clear_ibuf [dreg:s9], $0x2FFFF;
	_ =	strace $0x9FFFFFFF  }
0xc5: {  	(tm) =	ssettm $0x7FFFFFFF  }
tec
execute0_lowered:
.L_overlay_start_1:
0x0: {  	(tag) =	ssettag $0x1  }
0x1: {  	s14 =	rddreg [dreg:$0x0]  }
0x2: {  	s0 =	rddreg [dreg:$0x1]  }
0x3: {  	s7 =	rddreg [dreg:$0x2]  }
0x4: {  	s3 =	stileid.u32;
	s1 =	srdreg.scid  }
0x5: {  	s4 =	simm.s32 $0x0;
	s28 =	simm.s32 $0x4000;
	s29 =	simm.s32 $0x8000  }
0x6: {  	s31 =	simm.s32 $0x10000;
	s8 =	simm.s32 $0x2;
	s9 =	simm.s32 $0x18000  }
0x7: {  	s10 =	simm.s32 $0x3;
	s2 =	sshll.u32 s3, $0x1;
	s3 =	sshrl.u32 s3, $0x1  }
0x8: {  	s30 =	simm.s32 $0xA;
	s11 =	sshll.u32 s3, $0x14;
	s3 =	sshll.u32 s3, $0x7  }
0x9: {  	s1 =	sand.u32 $0x1, s1;
	[smem:$0x7FF] =	sst s4;
	s17 =	sor.u32 $0x4, s3  }
0xa: {  	_ =	strace $0x80000047;
	s18 =	sor.u32 $0x1, s3;
	[dreg:$0x9] =	wrdreg s17  }
0xb: {  	s2 =	sand.u32 $0x2, s2;
	s19 =	sor.u32 $0x5, s3;
	[dreg:$0xa] =	wrdreg s18  }
0xc: {  	s2 =	sor.u32 s1, s2;
	s20 =	sor.u32 $0x2, s3;
	[dreg:$0xb] =	wrdreg s19  }
0xd: {  	s1 =	ssub.s32 $0x2, s1;
	s21 =	sor.u32 $0x6, s3;
	[dreg:$0xc] =	wrdreg s20  }
0xe: {  	s22 =	sor.u32 $0x3, s3;
	s24 =	sor.u32 $0x9, s3;
	[dreg:$0xd] =	wrdreg s21  }
0xf: {  	s5 =	sshll.u32 s2, $0xB;
	s6 =	sshrl.u32 s1, $0x1;
	[dreg:$0x12] =	wrdreg s22  }
0x10: {  	s20 =	sor.u32 $0x7, s3;
	s21 =	sor.u32 $0x8, s3;
	s17 =	smov.u32 s3  }
0x11: {  	[dreg:$0xe] =	wrdreg s24;
	s24 =	simm.s32 $0x8;
	s3 =	simm.s32 $0x0  }
0x12: {  	s19 =	simm.s32 $0xC000;
	s2 =	sor.u32 s11, s5;
	s0 =	sadd.s32 s0, s5  }
0x13: {  	s1 =	ssub.s32 s1, s6;
	s12 =	sadd.s32 s14, s2;
	[dreg:$0x5] =	wrdreg s0  }
0x14: {  	s18 =	sadd.s32 s14, s5;
	s26 =	smax.u32 s1, $0x1;
	[dreg:$0x4] =	wrdreg s12  }
0x15: {  	s11 =	simm.s32 $0x7;
	s13 =	sadd.s32 $0x2000, s12;
	[dreg:$0x11] =	wrdreg s26  }
0x16: {  	s23 =	sadd.s32 s2, s7;
	s15 =	sadd.s32 $0x4000, s12;
	[dreg:$0x6] =	wrdreg s13  }
0x17: {  	s1 =	simm.s32 $0x14000;
	s16 =	sadd.s32 $0x6000, s12;
	[dreg:$0x7] =	wrdreg s15  }
0x18: {  	s12 =	sadd.s32 s7, s5;
	s25 =	sadd.s32 $0xFC000, s23;
	[dreg:$0x8] =	wrdreg s16  }
0x19: {  	s0 =	sadd.s32 $0xFE000, s23;
	s23 =	simm.s32 $0x4;
	[dreg:$0xf] =	wrdreg s25  }
0x1a: {  	s26 =	simm.s32 $0x6;
	s16 =	smov.u32 s7;
	[dreg:$0x10] =	wrdreg s0  }
0x1b: {  	s0 =	simm.s32 $0x1;
	s25 =	simm.s32 $0x5;
	s7 =	simm.s32 $0x9  }
.LBB2_1:
0x1c: {  	[dreg:$0x13] =	wrdreg s3  }
0x1d: {  	s2 =	rddreg [dreg:$0x5];
	s22 =	simm.s32 $0xD  }
0x1e: {  	[tilespmem:s4], [sflag:$0xD] =	stream.linear.gather [hbm4b:s2+s4], $0x4000, $0x38;
	[tilespmem:$0x1C000] =	vst v63  }
0x1f: {  	_ =	swait.ge [sflag:s22], $0x4000  }
0x20: {  	[sflag:s22] =	ssyncset.done $0x0  }
0x21: {  	s3 =	rddreg [dreg:$0x4];
	[sflag:s22] =	ssyncadd.s32 $0xFFFFC000  }
0x22: {  	[tilespmem:s28], [sflag:$0x1] =	stream.linear.gather [hbm4b:s3+s4], $0x4000, $0x38;
	[tilespmem:$0x1C000] =	vst v63  }
0x23: {  	s6 =	rddreg [dreg:$0x6]  }
0x24: {  	[tilespmem:s29], [sflag:$0x2] =	stream.linear.gather [hbm4b:s6+s4], $0x4000, $0x38;
	[tilespmem:$0x1C000] =	vst v63  }
0x25: {  	s15 =	simm.s32 $0xC000;
	s13 =	rddreg [dreg:$0x7]  }
0x26: {  	[tilespmem:s15], [sflag:$0x3] =	stream.linear.gather [hbm4b:s13+s4], $0x4000, $0x38;
	[tilespmem:$0x1C000] =	vst v63  }
0x27: {  	s2 =	simm.s32 $0x0;
	s22 =	rddreg [dreg:$0x8]  }
0x28: {  	[tilespmem:s31], [sflag:$0x4] =	stream.linear.gather [hbm4b:s22+s4], $0x4000, $0x38;
	[tilespmem:$0x1C000] =	vst v63  }
.LBB2_2:
0x29: {  	_ =	swait.ge [sflag:s0], $0x4000  }
0x2a: {  	[sflag:s0] =	ssyncset.done $0x0  }
0x2b: {  	s6 =	simm.s32 $0x0;
	s3 =	simm.s32 $0x200;
	[sflag:s0] =	ssyncadd.s32 $0xFFFFC000  }
.LBB2_3:
0x2c: {  	p0 =	sne.s32 s3, $0xFE00;
	v0 =	vld [tilespmem:s6+$0x70]  }
0x2d: {  	v1 =	vld [tilespmem:s6+$0x0]  }
0x2e: {  	v2 =	vld [tilespmem:s6+$0x10]  }
0x2f: {  	v3 =	vld [tilespmem:s6+$0x20]  }
0x30: {  	v4 =	vld [tilespmem:s6+$0x30]  }
0x31: {  	[tilespmem:s6+$0x4070] =	vst.add.f32.msk $0xffff, v0  }
0x32: {  	v0 =	vld [tilespmem:s6+$0x40]  }
0x33: {  	v5 =	vld [tilespmem:s6+$0x50]  }
0x34: {  	v6 =	vld [tilespmem:s6+$0x60]  }
0x35: {  	[tilespmem:s6+$0x4000] =	vst.add.f32.msk $0xffff, v1  }
0x36: {  	[tilespmem:s6+$0x4010] =	vst.add.f32.msk $0xffff, v2  }
.Ltmp0:
0x37: {  	[tilespmem:s6+$0x4020] =	vst.add.f32.msk $0xffff, v3;
	(pc) =	sbr.rel @p0 .LBB2_3-.Ltmp0, $4  }
0x38: {  	[tilespmem:s6+$0x4030] =	vst.add.f32.msk $0xffff, v4  }
0x39: {  	[tilespmem:s6+$0x4040] =	vst.add.f32.msk $0xffff, v0  }
0x3a: {  	[tilespmem:s6+$0x4050] =	vst.add.f32.msk $0xffff, v5  }
0x3b: {  	[tilespmem:s6+$0x4060] =	vst.add.f32.msk $0xffff, v6;
	s6 =	sshra.s32 s3, $0x2;
	s3 =	sadd.s32 $0x200, s3  }
0x3c: {  	v0 =	vld [tilespmem:s6+$0x70]  }
0x3d: {  	v1 =	vld [tilespmem:s6+$0x0]  }
0x3e: {  	v2 =	vld [tilespmem:s6+$0x10]  }
0x3f: {  	v3 =	vld [tilespmem:s6+$0x20]  }
0x40: {  	v4 =	vld [tilespmem:s6+$0x30]  }
0x41: {  	v63 =	vld [tilespmem:s6+$0x40]  }
0x42: {  	v5 =	vld [tilespmem:s6+$0x50]  }
0x43: {  	v6 =	vld [tilespmem:s6+$0x60]  }
0x44: {  	[tilespmem:s6+$0x4070] =	vst.add.f32.msk $0xffff, v0  }
0x45: {  	[tilespmem:s6+$0x4000] =	vst.add.f32.msk $0xffff, v1  }
0x46: {  	[tilespmem:s6+$0x4010] =	vst.add.f32.msk $0xffff, v2  }
0x47: {  	s3 =	smul.u32 $0x6, s2;
	[tilespmem:s6+$0x4020] =	vst.add.f32.msk $0xffff, v3  }
0x48: {  	[tilespmem:s6+$0x4030] =	vst.add.f32.msk $0xffff, v4  }
0x49: {  	s13 =	sadd.s32 s17, s3;
	[tilespmem:s6+$0x4040] =	vst.add.f32.msk $0xffff, v63  }
0x4a: {  	p0 =	seq.s32 s2, $0x0;
	s22 =	rddreg [dreg:$0x9];
	s13 =	sshll.u32 s13, $0xD;
	[tilespmem:s6+$0x4050] =	vst.add.f32.msk $0xffff, v5  }
0x4b: {  	s15 =	sadd.s32 s13, s12;
	s13 =	sadd.s32 s3, s22;
	[tilespmem:s6+$0x4060] =	vst.add.f32.msk $0xffff, v6;
	s6 =	simm.s32 @!p0 $0xB  }
0x4c: {  	[hbm4b:s15+s4] =	stream.linear.scatter [tilespmem:s28], [sflag:$0x7], $0x4000, $0x38;
	[tilespmem:$0x1C000] =	vst v63  }
0x4d: {  	s13 =	sshll.u32 s13, $0xD;
	_ =	swait.ge @!p0 [sflag:s6], $0x4000  }
0x4e: {  	s22 =	sor.u32 s5, s13;
	[sflag:s6] =	ssyncset.done @!p0 $0x0  }
0x4f: {  	s15 =	simm.s32 $0x0;
	s13 =	sadd.s32 s14, s22;
	[sflag:s6] =	ssyncadd.s32 @!p0 $0xFFFFC000  }
0x50: {  	[tilespmem:s1], [sflag:$0x5] =	stream.linear.gather [hbm4b:s13+s15], $0x4000, $0x38;
	[tilespmem:$0x1C000] =	vst v63  }
0x51: {  	_ =	swait.ge [sflag:s8], $0x4000  }
0x52: {  	[sflag:s8] =	ssyncset.done $0x0  }
0x53: {  	s6 =	simm.s32 $0x0;
	s13 =	simm.s32 $0x200;
	[sflag:s8] =	ssyncadd.s32 $0xFFFFC000  }
.LBB2_5:
0x54: {  	p1 =	sne.s32 s13, $0xFE00;
	v0 =	vld [tilespmem:s6+$0x70]  }
0x55: {  	v1 =	vld [tilespmem:s6+$0x0]  }
0x56: {  	v2 =	vld [tilespmem:s6+$0x10]  }
0x57: {  	v3 =	vld [tilespmem:s6+$0x20]  }
0x58: {  	v4 =	vld [tilespmem:s6+$0x30]  }
0x59: {  	[tilespmem:s6+$0x8070] =	vst.add.f32.msk $0xffff, v0  }
0x5a: {  	v0 =	vld [tilespmem:s6+$0x40]  }
0x5b: {  	v5 =	vld [tilespmem:s6+$0x50]  }
0x5c: {  	v6 =	vld [tilespmem:s6+$0x60]  }
0x5d: {  	[tilespmem:s6+$0x8000] =	vst.add.f32.msk $0xffff, v1  }
0x5e: {  	[tilespmem:s6+$0x8010] =	vst.add.f32.msk $0xffff, v2  }
.Ltmp1:
0x5f: {  	[tilespmem:s6+$0x8020] =	vst.add.f32.msk $0xffff, v3;
	(pc) =	sbr.rel @p1 .LBB2_5-.Ltmp1, $4  }
0x60: {  	[tilespmem:s6+$0x8030] =	vst.add.f32.msk $0xffff, v4  }
0x61: {  	[tilespmem:s6+$0x8040] =	vst.add.f32.msk $0xffff, v0  }
0x62: {  	[tilespmem:s6+$0x8050] =	vst.add.f32.msk $0xffff, v5  }
0x63: {  	[tilespmem:s6+$0x8060] =	vst.add.f32.msk $0xffff, v6;
	s6 =	sshra.s32 s13, $0x2;
	s13 =	sadd.s32 $0x200, s13  }
0x64: {  	v0 =	vld [tilespmem:s6+$0x70]  }
0x65: {  	v1 =	vld [tilespmem:s6+$0x0]  }
0x66: {  	v2 =	vld [tilespmem:s6+$0x10]  }
0x67: {  	v3 =	vld [tilespmem:s6+$0x20]  }
0x68: {  	v4 =	vld [tilespmem:s6+$0x30]  }
0x69: {  	v63 =	vld [tilespmem:s6+$0x40]  }
0x6a: {  	v5 =	vld [tilespmem:s6+$0x50]  }
0x6b: {  	v6 =	vld [tilespmem:s6+$0x60]  }
0x6c: {  	[tilespmem:s6+$0x8070] =	vst.add.f32.msk $0xffff, v0  }
0x6d: {  	[tilespmem:s6+$0x8000] =	vst.add.f32.msk $0xffff, v1  }
0x6e: {  	[tilespmem:s6+$0x8010] =	vst.add.f32.msk $0xffff, v2  }
0x6f: {  	[tilespmem:s6+$0x8020] =	vst.add.f32.msk $0xffff, v3  }
0x70: {  	s13 =	rddreg [dreg:$0xa];
	[tilespmem:s6+$0x8030] =	vst.add.f32.msk $0xffff, v4  }
0x71: {  	s13 =	sadd.s32 s3, s13;
	[tilespmem:s6+$0x8040] =	vst.add.f32.msk $0xffff, v63  }
0x72: {  	s13 =	sshll.u32 s13, $0xD;
	[tilespmem:s6+$0x8050] =	vst.add.f32.msk $0xffff, v5  }
0x73: {  	s15 =	rddreg [dreg:$0xb];
	s13 =	sadd.s32 s13, s12;
	[tilespmem:s6+$0x8060] =	vst.add.f32.msk $0xffff, v6  }
0x74: {  	[hbm4b:s13+s4] =	stream.linear.scatter [tilespmem:s29], [sflag:$0x8], $0x4000, $0x38;
	[tilespmem:$0x1C000] =	vst v63  }
0x75: {  	s6 =	sadd.s32 s3, s15;
	s13 =	simm.s32 @!p0 $0xC  }
0x76: {  	s6 =	sshll.u32 s6, $0xD;
	_ =	swait.ge @!p0 [sflag:s13], $0x4000  }
0x77: {  	s15 =	smov.u32 s14;
	s6 =	sor.u32 s5, s6;
	[sflag:s13] =	ssyncset.done @!p0 $0x0  }
0x78: {  	[sflag:s13] =	ssyncadd.s32 @!p0 $0xFFFFC000;
	s13 =	sadd.s32 s14, s6;
	s14 =	simm.s32 $0x0  }
0x79: {  	[tilespmem:s9], [sflag:$0x6] =	stream.linear.gather [hbm4b:s13+s14], $0x4000, $0x38;
	[tilespmem:$0x1C000] =	vst v63  }
0x7a: {  	_ =	swait.ge [sflag:s10], $0x4000  }
0x7b: {  	[sflag:s10] =	ssyncset.done $0x0  }
0x7c: {  	s13 =	simm.s32 $0x0;
	s14 =	simm.s32 $0x200;
	[sflag:s10] =	ssyncadd.s32 $0xFFFFC000  }
.LBB2_7:
0x7d: {  	p0 =	sne.s32 s14, $0xFE00;
	v0 =	vld [tilespmem:s13+$0x70]  }
0x7e: {  	v1 =	vld [tilespmem:s13+$0x0]  }
0x7f: {  	v2 =	vld [tilespmem:s13+$0x10]  }
0x80: {  	v3 =	vld [tilespmem:s13+$0x20]  }
0x81: {  	v4 =	vld [tilespmem:s13+$0x30]  }
0x82: {  	[tilespmem:s13+$0xC070] =	vst.add.f32.msk $0xffff, v0  }
0x83: {  	v0 =	vld [tilespmem:s13+$0x40]  }
0x84: {  	v5 =	vld [tilespmem:s13+$0x50]  }
0x85: {  	v6 =	vld [tilespmem:s13+$0x60]  }
0x86: {  	[tilespmem:s13+$0xC000] =	vst.add.f32.msk $0xffff, v1  }
0x87: {  	[tilespmem:s13+$0xC010] =	vst.add.f32.msk $0xffff, v2  }
.Ltmp2:
0x88: {  	[tilespmem:s13+$0xC020] =	vst.add.f32.msk $0xffff, v3;
	(pc) =	sbr.rel @p0 .LBB2_7-.Ltmp2, $4  }
0x89: {  	[tilespmem:s13+$0xC030] =	vst.add.f32.msk $0xffff, v4  }
0x8a: {  	[tilespmem:s13+$0xC040] =	vst.add.f32.msk $0xffff, v0  }
0x8b: {  	[tilespmem:s13+$0xC050] =	vst.add.f32.msk $0xffff, v5  }
0x8c: {  	[tilespmem:s13+$0xC060] =	vst.add.f32.msk $0xffff, v6;
	s13 =	sshra.s32 s14, $0x2;
	s14 =	sadd.s32 $0x200, s14  }
0x8d: {  	v0 =	vld [tilespmem:s13+$0x70]  }
0x8e: {  	v1 =	vld [tilespmem:s13+$0x0]  }
0x8f: {  	v2 =	vld [tilespmem:s13+$0x10]  }
0x90: {  	v3 =	vld [tilespmem:s13+$0x20]  }
0x91: {  	v4 =	vld [tilespmem:s13+$0x30]  }
0x92: {  	v63 =	vld [tilespmem:s13+$0x40]  }
0x93: {  	v5 =	vld [tilespmem:s13+$0x50]  }
0x94: {  	v6 =	vld [tilespmem:s13+$0x60]  }
0x95: {  	[tilespmem:s13+$0xC070] =	vst.add.f32.msk $0xffff, v0  }
0x96: {  	[tilespmem:s13+$0xC000] =	vst.add.f32.msk $0xffff, v1  }
0x97: {  	[tilespmem:s13+$0xC010] =	vst.add.f32.msk $0xffff, v2  }
0x98: {  	[tilespmem:s13+$0xC020] =	vst.add.f32.msk $0xffff, v3  }
0x99: {  	s14 =	rddreg [dreg:$0xc];
	[tilespmem:s13+$0xC030] =	vst.add.f32.msk $0xffff, v4  }
0x9a: {  	s14 =	sadd.s32 s3, s14;
	[tilespmem:s13+$0xC040] =	vst.add.f32.msk $0xffff, v63  }
0x9b: {  	s14 =	sshll.u32 s14, $0xD;
	[tilespmem:s13+$0xC050] =	vst.add.f32.msk $0xffff, v5  }
0x9c: {  	[tilespmem:s13+$0xC060] =	vst.add.f32.msk $0xffff, v6;
	s13 =	sadd.s32 s14, s12;
	s14 =	simm.s32 $0x0  }
0x9d: {  	[hbm4b:s13+s14] =	stream.linear.scatter [tilespmem:s19], [sflag:$0x9], $0x4000, $0x38;
	[tilespmem:$0x1C000] =	vst v63  }
0x9e: {  	_ =	swait.ge [sflag:s11], $0x4000  }
0x9f: {  	s13 =	rddreg [dreg:$0xd]  }
0xa0: {  	s13 =	sadd.s32 s3, s13  }
0xa1: {  	[sflag:s11] =	ssyncset.done $0x0;
	s13 =	sshll.u32 s13, $0xD  }
0xa2: {  	[sflag:s11] =	ssyncadd.s32 $0xFFFFC000;
	s13 =	sadd.s32 s13, s18  }
0xa3: {  	[tilespmem:s28], [sflag:$0x1] =	stream.linear.gather [hbm4b:s13+s14], $0x4000, $0x38;
	[tilespmem:$0x1C000] =	vst v63  }
0xa4: {  	_ =	swait.ge [sflag:s23], $0x4000  }
0xa5: {  	[sflag:s23] =	ssyncset.done $0x0  }
0xa6: {  	s13 =	simm.s32 $0x0;
	s14 =	simm.s32 $0x200;
	[sflag:s23] =	ssyncadd.s32 $0xFFFFC000  }
.LBB2_9:
0xa7: {  	p0 =	sne.s32 s14, $0xFE00;
	v0 =	vld [tilespmem:s13+$0x70]  }
0xa8: {  	v1 =	vld [tilespmem:s13+$0x0]  }
0xa9: {  	v2 =	vld [tilespmem:s13+$0x10]  }
0xaa: {  	v3 =	vld [tilespmem:s13+$0x20]  }
0xab: {  	v4 =	vld [tilespmem:s13+$0x30]  }
0xac: {  	[tilespmem:s13+$0x10070] =	vst.add.f32.msk $0xffff, v0  }
0xad: {  	v0 =	vld [tilespmem:s13+$0x40]  }
0xae: {  	v5 =	vld [tilespmem:s13+$0x50]  }
0xaf: {  	v6 =	vld [tilespmem:s13+$0x60]  }
0xb0: {  	[tilespmem:s13+$0x10000] =	vst.add.f32.msk $0xffff, v1  }
0xb1: {  	[tilespmem:s13+$0x10010] =	vst.add.f32.msk $0xffff, v2  }
.Ltmp3:
0xb2: {  	[tilespmem:s13+$0x10020] =	vst.add.f32.msk $0xffff, v3;
	(pc) =	sbr.rel @p0 .LBB2_9-.Ltmp3, $4  }
0xb3: {  	[tilespmem:s13+$0x10030] =	vst.add.f32.msk $0xffff, v4  }
0xb4: {  	[tilespmem:s13+$0x10040] =	vst.add.f32.msk $0xffff, v0  }
0xb5: {  	[tilespmem:s13+$0x10050] =	vst.add.f32.msk $0xffff, v5  }
0xb6: {  	[tilespmem:s13+$0x10060] =	vst.add.f32.msk $0xffff, v6;
	s13 =	sshra.s32 s14, $0x2;
	s14 =	sadd.s32 $0x200, s14  }
0xb7: {  	v0 =	vld [tilespmem:s13+$0x70]  }
0xb8: {  	v1 =	vld [tilespmem:s13+$0x0]  }
0xb9: {  	v2 =	vld [tilespmem:s13+$0x10]  }
0xba: {  	v3 =	vld [tilespmem:s13+$0x20]  }
0xbb: {  	v4 =	vld [tilespmem:s13+$0x30]  }
0xbc: {  	v63 =	vld [tilespmem:s13+$0x40]  }
0xbd: {  	v5 =	vld [tilespmem:s13+$0x50]  }
0xbe: {  	v6 =	vld [tilespmem:s13+$0x60]  }
0xbf: {  	[tilespmem:s13+$0x10070] =	vst.add.f32.msk $0xffff, v0  }
0xc0: {  	[tilespmem:s13+$0x10000] =	vst.add.f32.msk $0xffff, v1  }
0xc1: {  	[tilespmem:s13+$0x10010] =	vst.add.f32.msk $0xffff, v2  }
0xc2: {  	[tilespmem:s13+$0x10020] =	vst.add.f32.msk $0xffff, v3  }
0xc3: {  	s14 =	rddreg [dreg:$0x12];
	[tilespmem:s13+$0x10030] =	vst.add.f32.msk $0xffff, v4  }
0xc4: {  	s14 =	sadd.s32 s3, s14;
	[tilespmem:s13+$0x10040] =	vst.add.f32.msk $0xffff, v63  }
0xc5: {  	s14 =	sshll.u32 s14, $0xD;
	[tilespmem:s13+$0x10050] =	vst.add.f32.msk $0xffff, v5  }
0xc6: {  	[tilespmem:s13+$0x10060] =	vst.add.f32.msk $0xffff, v6;
	s13 =	sadd.s32 s14, s12;
	s14 =	simm.s32 $0x0  }
0xc7: {  	[hbm4b:s13+s14] =	stream.linear.scatter [tilespmem:s31], [sflag:$0xA], $0x4000, $0x38;
	[tilespmem:$0x1C000] =	vst v63  }
0xc8: {  	s13 =	sadd.s32 s3, s20;
	_ =	swait.ge [sflag:s24], $0x4000  }
0xc9: {  	s13 =	sshll.u32 s13, $0xD;
	[sflag:s24] =	ssyncset.done $0x0  }
0xca: {  	s13 =	sadd.s32 s13, s18;
	[sflag:s24] =	ssyncadd.s32 $0xFFFFC000  }
0xcb: {  	[tilespmem:s29], [sflag:$0x2] =	stream.linear.gather [hbm4b:s13+s14], $0x4000, $0x38;
	[tilespmem:$0x1C000] =	vst v63  }
0xcc: {  	_ =	swait.ge [sflag:s25], $0x4000  }
0xcd: {  	[sflag:s25] =	ssyncset.done $0x0  }
0xce: {  	s13 =	simm.s32 $0x0;
	s14 =	simm.s32 $0x200;
	[sflag:s25] =	ssyncadd.s32 $0xFFFFC000  }
.LBB2_11:
0xcf: {  	p0 =	sne.s32 s14, $0xFE00;
	v0 =	vld [tilespmem:s13+$0x70]  }
0xd0: {  	v1 =	vld [tilespmem:s13+$0x0]  }
0xd1: {  	v2 =	vld [tilespmem:s13+$0x10]  }
0xd2: {  	v3 =	vld [tilespmem:s13+$0x20]  }
0xd3: {  	v4 =	vld [tilespmem:s13+$0x30]  }
0xd4: {  	[tilespmem:s13+$0x14070] =	vst.add.f32.msk $0xffff, v0  }
0xd5: {  	v0 =	vld [tilespmem:s13+$0x40]  }
0xd6: {  	v5 =	vld [tilespmem:s13+$0x50]  }
0xd7: {  	v6 =	vld [tilespmem:s13+$0x60]  }
0xd8: {  	[tilespmem:s13+$0x14000] =	vst.add.f32.msk $0xffff, v1  }
0xd9: {  	[tilespmem:s13+$0x14010] =	vst.add.f32.msk $0xffff, v2  }
.Ltmp4:
0xda: {  	[tilespmem:s13+$0x14020] =	vst.add.f32.msk $0xffff, v3;
	(pc) =	sbr.rel @p0 .LBB2_11-.Ltmp4, $4  }
0xdb: {  	[tilespmem:s13+$0x14030] =	vst.add.f32.msk $0xffff, v4  }
0xdc: {  	[tilespmem:s13+$0x14040] =	vst.add.f32.msk $0xffff, v0  }
0xdd: {  	[tilespmem:s13+$0x14050] =	vst.add.f32.msk $0xffff, v5  }
0xde: {  	[tilespmem:s13+$0x14060] =	vst.add.f32.msk $0xffff, v6;
	s13 =	sshra.s32 s14, $0x2;
	s14 =	sadd.s32 $0x200, s14  }
0xdf: {  	v0 =	vld [tilespmem:s13+$0x70]  }
0xe0: {  	v1 =	vld [tilespmem:s13+$0x0]  }
0xe1: {  	v2 =	vld [tilespmem:s13+$0x10]  }
0xe2: {  	v3 =	vld [tilespmem:s13+$0x20]  }
0xe3: {  	v4 =	vld [tilespmem:s13+$0x30]  }
0xe4: {  	v63 =	vld [tilespmem:s13+$0x40]  }
0xe5: {  	v5 =	vld [tilespmem:s13+$0x50]  }
0xe6: {  	v6 =	vld [tilespmem:s13+$0x60]  }
0xe7: {  	[tilespmem:s13+$0x14070] =	vst.add.f32.msk $0xffff, v0  }
0xe8: {  	[tilespmem:s13+$0x14000] =	vst.add.f32.msk $0xffff, v1  }
0xe9: {  	[tilespmem:s13+$0x14010] =	vst.add.f32.msk $0xffff, v2  }
0xea: {  	[tilespmem:s13+$0x14020] =	vst.add.f32.msk $0xffff, v3  }
0xeb: {  	[tilespmem:s13+$0x14030] =	vst.add.f32.msk $0xffff, v4  }
0xec: {  	[tilespmem:s13+$0x14040] =	vst.add.f32.msk $0xffff, v63  }
0xed: {  	[tilespmem:s13+$0x14050] =	vst.add.f32.msk $0xffff, v5  }
0xee: {  	s22 =	sadd.s32 s16, s22;
	p0 =	seq.s32 s2, $0x14;
	[tilespmem:s13+$0x14060] =	vst.add.f32.msk $0xffff, v6  }
0xef: {  	[hbm4b:s22+s4] =	stream.linear.scatter [tilespmem:s1], [sflag:$0xB], $0x4000, $0x38;
	[tilespmem:$0x1C000] =	vst v63  }
0xf0: {  	s13 =	sadd.s32 @!p0 s3, s21;
	_ =	swait.ge [sflag:s7], $0x4000  }
0xf1: {  	s14 =	simm.s32 @!p0 $0x0;
	s13 =	sshll.u32 @!p0 s13, $0xD;
	[sflag:s7] =	ssyncset.done $0x0  }
0xf2: {  	s22 =	simm.s32 @!p0 $0xC000;
	s13 =	sadd.s32 @!p0 s13, s18;
	[sflag:s7] =	ssyncadd.s32 $0xFFFFC000  }
0xf3: {  	[tilespmem:s22], [sflag:$0x3] =	stream.linear.gather @!p0 [hbm4b:s13+s14], $0x4000, $0x38;
	[tilespmem:$0x1C000] =	vst v63  }
0xf4: {  	_ =	swait.ge [sflag:s26], $0x4000  }
0xf5: {  	[sflag:s26] =	ssyncset.done $0x0  }
0xf6: {  	s13 =	simm.s32 $0x0;
	s14 =	simm.s32 $0x200;
	[sflag:s26] =	ssyncadd.s32 $0xFFFFC000  }
.LBB2_13:
0xf7: {  	p1 =	sne.s32 s14, $0xFE00;
	v0 =	vld [tilespmem:s13+$0x70]  }
0xf8: {  	v1 =	vld [tilespmem:s13+$0x0]  }
0xf9: {  	v2 =	vld [tilespmem:s13+$0x10]  }
0xfa: {  	v3 =	vld [tilespmem:s13+$0x20]  }
0xfb: {  	v4 =	vld [tilespmem:s13+$0x30]  }
0xfc: {  	[tilespmem:s13+$0x18070] =	vst.add.f32.msk $0xffff, v0  }
0xfd: {  	v0 =	vld [tilespmem:s13+$0x40]  }
0xfe: {  	v5 =	vld [tilespmem:s13+$0x50]  }
0xff: {  	v6 =	vld [tilespmem:s13+$0x60]  }
0x100: {  	[tilespmem:s13+$0x18000] =	vst.add.f32.msk $0xffff, v1  }
0x101: {  	[tilespmem:s13+$0x18010] =	vst.add.f32.msk $0xffff, v2  }
.Ltmp5:
0x102: {  	[tilespmem:s13+$0x18020] =	vst.add.f32.msk $0xffff, v3;
	(pc) =	sbr.rel @p1 .LBB2_13-.Ltmp5, $4  }
0x103: {  	[tilespmem:s13+$0x18030] =	vst.add.f32.msk $0xffff, v4  }
0x104: {  	[tilespmem:s13+$0x18040] =	vst.add.f32.msk $0xffff, v0  }
0x105: {  	[tilespmem:s13+$0x18050] =	vst.add.f32.msk $0xffff, v5  }
0x106: {  	[tilespmem:s13+$0x18060] =	vst.add.f32.msk $0xffff, v6;
	s13 =	sshra.s32 s14, $0x2;
	s14 =	sadd.s32 $0x200, s14  }
0x107: {  	v0 =	vld [tilespmem:s13+$0x70]  }
0x108: {  	v1 =	vld [tilespmem:s13+$0x0]  }
0x109: {  	v2 =	vld [tilespmem:s13+$0x10]  }
0x10a: {  	v3 =	vld [tilespmem:s13+$0x20]  }
0x10b: {  	v4 =	vld [tilespmem:s13+$0x30]  }
0x10c: {  	v63 =	vld [tilespmem:s13+$0x40]  }
0x10d: {  	v5 =	vld [tilespmem:s13+$0x50]  }
0x10e: {  	v6 =	vld [tilespmem:s13+$0x60]  }
0x10f: {  	[tilespmem:s13+$0x18070] =	vst.add.f32.msk $0xffff, v0  }
0x110: {  	[tilespmem:s13+$0x18000] =	vst.add.f32.msk $0xffff, v1  }
0x111: {  	[tilespmem:s13+$0x18010] =	vst.add.f32.msk $0xffff, v2  }
0x112: {  	[tilespmem:s13+$0x18020] =	vst.add.f32.msk $0xffff, v3  }
0x113: {  	[tilespmem:s13+$0x18030] =	vst.add.f32.msk $0xffff, v4  }
0x114: {  	[tilespmem:s13+$0x18040] =	vst.add.f32.msk $0xffff, v63  }
0x115: {  	[tilespmem:s13+$0x18050] =	vst.add.f32.msk $0xffff, v5  }
.Ltmp6:
0x116: {  	s6 =	sadd.s32 s16, s6;
	[tilespmem:s13+$0x18060] =	vst.add.f32.msk $0xffff, v6;
	(pc) =	sbr.rel @p0 .LBB2_16-.Ltmp6, $4  }
0x117: {  	[hbm4b:s6+s4] =	stream.linear.scatter [tilespmem:s9], [sflag:$0xC], $0x4000, $0x38;
	[tilespmem:$0x1C000] =	vst v63  }
0x118: {  	_ =	swait.ge [sflag:s30], $0x4000  }
0x119: {  	[sflag:s30] =	ssyncset.done $0x0  }
0x11a: {  	[sflag:s30] =	ssyncadd.s32 $0xFFFFC000  }
.Ltmp7:
0x11b: {  	s6 =	rddreg [dreg:$0xe];
	(pc) =	sbr.rel .LBB2_2-.Ltmp7, $4  }
0x11c: {  	s3 =	sadd.s32 s3, s6  }
0x11d: {  	s3 =	sshll.u32 s3, $0xD  }
0x11e: {  	s2 =	sadd.s32 $0x1, s2;
	s14 =	smov.u32 s15;
	s3 =	sadd.s32 s3, s18  }
0x11f: {  	[tilespmem:s31], [sflag:$0x4] =	stream.linear.gather [hbm4b:s3+s4], $0x4000, $0x38;
	[tilespmem:$0x1C000] =	vst v63  }
.LBB2_16:
0x120: {  	_ =	swait.ge [sflag:s0], $0x4000  }
0x121: {  	s2 =	simm.s32 $0x0;
	[sflag:s0] =	ssyncset.done $0x0  }
0x122: {  	s3 =	simm.s32 $0x200;
	s14 =	smov.u32 s15;
	[sflag:s0] =	ssyncadd.s32 $0xFFFFC000  }
.LBB2_17:
0x123: {  	p0 =	sne.s32 s3, $0xFE00;
	v0 =	vld [tilespmem:s2+$0x70]  }
0x124: {  	v1 =	vld [tilespmem:s2+$0x0]  }
0x125: {  	v2 =	vld [tilespmem:s2+$0x10]  }
0x126: {  	v3 =	vld [tilespmem:s2+$0x20]  }
0x127: {  	v4 =	vld [tilespmem:s2+$0x30]  }
0x128: {  	[tilespmem:s2+$0x4070] =	vst.add.f32.msk $0xffff, v0  }
0x129: {  	v0 =	vld [tilespmem:s2+$0x40]  }
0x12a: {  	v5 =	vld [tilespmem:s2+$0x50]  }
0x12b: {  	v6 =	vld [tilespmem:s2+$0x60]  }
0x12c: {  	[tilespmem:s2+$0x4000] =	vst.add.f32.msk $0xffff, v1  }
0x12d: {  	[tilespmem:s2+$0x4010] =	vst.add.f32.msk $0xffff, v2  }
.Ltmp8:
0x12e: {  	[tilespmem:s2+$0x4020] =	vst.add.f32.msk $0xffff, v3;
	(pc) =	sbr.rel @p0 .LBB2_17-.Ltmp8, $4  }
0x12f: {  	[tilespmem:s2+$0x4030] =	vst.add.f32.msk $0xffff, v4  }
0x130: {  	[tilespmem:s2+$0x4040] =	vst.add.f32.msk $0xffff, v0  }
0x131: {  	[tilespmem:s2+$0x4050] =	vst.add.f32.msk $0xffff, v5  }
0x132: {  	[tilespmem:s2+$0x4060] =	vst.add.f32.msk $0xffff, v6;
	s2 =	sshra.s32 s3, $0x2;
	s3 =	sadd.s32 $0x200, s3  }
0x133: {  	v0 =	vld [tilespmem:s2+$0x70]  }
0x134: {  	v1 =	vld [tilespmem:s2+$0x0]  }
0x135: {  	v2 =	vld [tilespmem:s2+$0x10]  }
0x136: {  	v3 =	vld [tilespmem:s2+$0x20]  }
0x137: {  	v4 =	vld [tilespmem:s2+$0x30]  }
0x138: {  	v63 =	vld [tilespmem:s2+$0x40]  }
0x139: {  	v5 =	vld [tilespmem:s2+$0x50]  }
0x13a: {  	v6 =	vld [tilespmem:s2+$0x60]  }
0x13b: {  	[tilespmem:s2+$0x4070] =	vst.add.f32.msk $0xffff, v0  }
0x13c: {  	[tilespmem:s2+$0x4000] =	vst.add.f32.msk $0xffff, v1  }
0x13d: {  	[tilespmem:s2+$0x4010] =	vst.add.f32.msk $0xffff, v2  }
0x13e: {  	[tilespmem:s2+$0x4020] =	vst.add.f32.msk $0xffff, v3  }
0x13f: {  	[tilespmem:s2+$0x4030] =	vst.add.f32.msk $0xffff, v4  }
0x140: {  	[tilespmem:s2+$0x4040] =	vst.add.f32.msk $0xffff, v63  }
0x141: {  	[tilespmem:s2+$0x4050] =	vst.add.f32.msk $0xffff, v5  }
0x142: {  	s15 =	simm.s32 $0x0;
	s3 =	rddreg [dreg:$0xf];
	s22 =	simm.s32 $0xB;
	[tilespmem:s2+$0x4060] =	vst.add.f32.msk $0xffff, v6  }
0x143: {  	[hbm4b:s3+s15] =	stream.linear.scatter [tilespmem:s28], [sflag:$0x7], $0x4000, $0x38;
	[tilespmem:$0x1C000] =	vst v63  }
0x144: {  	_ =	swait.ge [sflag:s22], $0x4000  }
0x145: {  	[sflag:s22] =	ssyncset.done $0x0  }
0x146: {  	[sflag:s22] =	ssyncadd.s32 $0xFFFFC000  }
0x147: {  	_ =	swait.ge [sflag:s8], $0x4000  }
0x148: {  	[sflag:s8] =	ssyncset.done $0x0  }
0x149: {  	s2 =	simm.s32 $0x0;
	s3 =	simm.s32 $0x200;
	[sflag:s8] =	ssyncadd.s32 $0xFFFFC000  }
.LBB2_19:
0x14a: {  	p0 =	sne.s32 s3, $0xFE00;
	v0 =	vld [tilespmem:s2+$0x70]  }
0x14b: {  	v1 =	vld [tilespmem:s2+$0x0]  }
0x14c: {  	v2 =	vld [tilespmem:s2+$0x10]  }
0x14d: {  	v3 =	vld [tilespmem:s2+$0x20]  }
0x14e: {  	v4 =	vld [tilespmem:s2+$0x30]  }
0x14f: {  	[tilespmem:s2+$0x8070] =	vst.add.f32.msk $0xffff, v0  }
0x150: {  	v0 =	vld [tilespmem:s2+$0x40]  }
0x151: {  	v5 =	vld [tilespmem:s2+$0x50]  }
0x152: {  	v6 =	vld [tilespmem:s2+$0x60]  }
0x153: {  	[tilespmem:s2+$0x8000] =	vst.add.f32.msk $0xffff, v1  }
0x154: {  	[tilespmem:s2+$0x8010] =	vst.add.f32.msk $0xffff, v2  }
.Ltmp9:
0x155: {  	[tilespmem:s2+$0x8020] =	vst.add.f32.msk $0xffff, v3;
	(pc) =	sbr.rel @p0 .LBB2_19-.Ltmp9, $4  }
0x156: {  	[tilespmem:s2+$0x8030] =	vst.add.f32.msk $0xffff, v4  }
0x157: {  	[tilespmem:s2+$0x8040] =	vst.add.f32.msk $0xffff, v0  }
0x158: {  	[tilespmem:s2+$0x8050] =	vst.add.f32.msk $0xffff, v5  }
0x159: {  	[tilespmem:s2+$0x8060] =	vst.add.f32.msk $0xffff, v6;
	s2 =	sshra.s32 s3, $0x2;
	s3 =	sadd.s32 $0x200, s3  }
0x15a: {  	v0 =	vld [tilespmem:s2+$0x70]  }
0x15b: {  	v1 =	vld [tilespmem:s2+$0x0]  }
0x15c: {  	v2 =	vld [tilespmem:s2+$0x10]  }
0x15d: {  	v3 =	vld [tilespmem:s2+$0x20]  }
0x15e: {  	v4 =	vld [tilespmem:s2+$0x30]  }
0x15f: {  	v63 =	vld [tilespmem:s2+$0x40]  }
0x160: {  	v5 =	vld [tilespmem:s2+$0x50]  }
0x161: {  	v6 =	vld [tilespmem:s2+$0x60]  }
0x162: {  	[tilespmem:s2+$0x8070] =	vst.add.f32.msk $0xffff, v0  }
0x163: {  	[tilespmem:s2+$0x8000] =	vst.add.f32.msk $0xffff, v1  }
0x164: {  	[tilespmem:s2+$0x8010] =	vst.add.f32.msk $0xffff, v2  }
0x165: {  	[tilespmem:s2+$0x8020] =	vst.add.f32.msk $0xffff, v3  }
0x166: {  	[tilespmem:s2+$0x8030] =	vst.add.f32.msk $0xffff, v4  }
0x167: {  	[tilespmem:s2+$0x8040] =	vst.add.f32.msk $0xffff, v63  }
0x168: {  	[tilespmem:s2+$0x8050] =	vst.add.f32.msk $0xffff, v5  }
0x169: {  	s13 =	rddreg [dreg:$0x10];
	s15 =	simm.s32 $0xC;
	[tilespmem:s2+$0x8060] =	vst.add.f32.msk $0xffff, v6  }
0x16a: {  	[hbm4b:s13+s4] =	stream.linear.scatter [tilespmem:s29], [sflag:$0x8], $0x4000, $0x38;
	[tilespmem:$0x1C000] =	vst v63  }
0x16b: {  	_ =	swait.ge [sflag:s15], $0x4000  }
0x16c: {  	[sflag:s15] =	ssyncset.done $0x0  }
0x16d: {  	[sflag:s15] =	ssyncadd.s32 $0xFFFFC000  }
0x16e: {  	_ =	swait.ge [sflag:s11], $0x4000  }
0x16f: {  	[sflag:s11] =	ssyncset.done $0x0  }
0x170: {  	[sflag:s11] =	ssyncadd.s32 $0xFFFFC000  }
0x171: {  	_ =	swait.ge [sflag:s24], $0x4000  }
0x172: {  	s3 =	rddreg [dreg:$0x13]  }
0x173: {  	s22 =	rddreg [dreg:$0x11];
	s3 =	sadd.s32 $0x1, s3  }
0x174: {  	p0 =	sne.s32 s3, s22  }
.Ltmp10:
0x175: {  	_ = 	snop;
	(pc) =	sbr.rel @p0 .LBB2_1-.Ltmp10, $3  }
0x176: {  	_ =	sdelay $0x1  }
0x177: {  	[sflag:s24] =	ssyncset.done $0x0  }
0x178: {  	[sflag:s24] =	ssyncadd.s32 $0xFFFFC000  }
0x179: {  	_ =	sfence.sel $0x180000  }
0x17a: {  	[bflag:$0x0] =	sbarrier.arrive $0xFFFF  }
0x17b: {  	_ =	strace $0x90000047  }
0x17c: {  	s0 =	stileid.u32;
	[bflag:$0x2] =	sbarrier.arrive $0xFFFF  }
0x17d: {  	p0 =	sne.s32 s0, $0x0;
	s0 =	rddreg [dreg:$0x3]  }
0x17e: {  	s0 =	sadd.s32 @!p0 $0x100000, s0  }
0x17f: {  	[sflag:s0] =	ssyncadd.tile.s32 @!p0 $0x1;
	_ =	shalt  }
.Lfunc_end2:
_tile_overlayer_lowered:
.L_overlay_start_2:
0x180: {  	(tag) =	ssettag $0x2  }
0x181: {  	s0 =	rddreg [dreg:$0x0];
	s2 =	stileid.u32  }
0x182: {  	s1 =	rddreg [dreg:$0x1];
	p0 =	sne.s32 s2, $0x0  }
0x183: {  	s3 =	rddreg [dreg:$0x2];
	[bflag:$0x3] =	sbarrier.arrive $0xFFFF;
	s2 =	simm.s32 @!p0 $0x1C0D  }
0x184: {  	[timem:s3], [sflag:s2] =	dma.local @!p0 [hbm:s0], s1  }
0x185: {  	s0 =	simm.s32 @!p0 $0xD  }
0x186: {  	_ =	swait.ge @!p0 [sflag:s0], s1  }
0x187: {  	s1 =	ssub.s32 @!p0 $0x0, s1;
	[sflag:s0] =	ssyncset.done @!p0 $0x0  }
0x188: {  	[sflag:s0] =	ssyncadd.s32 @!p0 s1  }
0x189: {  	[bflag:$0x3] =	sbarrier.arrive $0xFFFF  }
0x18a: {  	_ =	shalt  }

</sc_bundles>
